<compile_context>
chip_gen: v7x
topology: tpu7x:2x2x1
jax: 0.10.2.dev20260603
libtpu: 0.0.44.dev20260713+nightly
codegen_flags: <defaults>
</compile_context>

<pallas_src>
import functools

import jax
import jax.numpy as jnp
from jax import lax
from jax.experimental import pallas as pl
from jax.experimental.pallas import tpu as pltpu
from jax.experimental.pallas import tpu_sc as plsc

B, S, E = 16, 512, 256
FILT = 256
N_BINS = 256
MAXL = 2048
NC, NS = 2, 16
NW = NC * NS
FPW = (B * MAXL) // NW
CH = 128


def _a_body(sl_ref, x_ref, d_ref, pt_ref, et_ref, pemb_ref, eemb_ref,
            blo_p_ref, bhi_p_ref, blo_e_ref, bhi_e_ref,
            x2_ref, gidx_ref, mlen_ref, mask_ref):
    b = pl.program_id(0)

    @pl.when(b == B)
    def _zero_block():
        x2_ref[...] = jnp.zeros((1, S, E), jnp.float32)

    @pl.when(b < B)
    def _main():
        r = lax.rem(b, 8)
        x = x_ref[0]
        sl = sl_ref[b]

        pt = pt_ref[pl.ds(r, 1), :]
        ohT_p = ((pt >= blo_p_ref[...]).astype(jnp.float32)
                 - (pt >= bhi_p_ref[...]).astype(jnp.float32))
        et = et_ref[pl.ds(r, 1), :]
        ohT_e = ((et >= blo_e_ref[...]).astype(jnp.float32)
                 - (et >= bhi_e_ref[...]).astype(jnp.float32))

        def dotT(ohT, emb):
            return lax.dot_general(ohT, emb, (((0,), (0,)), ((), ())),
                                   preferred_element_type=jnp.float32)

        x2_ref[0] = x + dotT(ohT_p, pemb_ref[...]) + dotT(ohT_e, eemb_ref[...])

        drow = d_ref[pl.ds(r, 1), :].astype(jnp.float32)
        tokr = lax.broadcasted_iota(jnp.int32, (1, S), 1)
        dmask = jnp.where(tokr >= sl, 0.0, drow)
        ii = lax.broadcasted_iota(jnp.int32, (S, S), 0)
        jj = lax.broadcasted_iota(jnp.int32, (S, S), 1)
        ltri = (jj <= ii).astype(jnp.float32)
        cum_col = lax.dot_general(ltri, dmask, (((1,), (1,)), ((), ())),
                                  preferred_element_type=jnp.float32)

        total = jnp.sum(dmask).astype(jnp.int32)
        mlen = jnp.minimum(total, MAXL)
        mlen_ref[0] = jnp.full((1, 128), mlen, jnp.int32)

        frames = lax.broadcasted_iota(jnp.int32, (1, MAXL), 1)
        gefT = (cum_col <= frames.astype(jnp.float32)).astype(jnp.float32)
        ones = jnp.full((1, S), 1, jnp.float32)
        idxf = lax.dot_general(ones, gefT, (((1,), (0,)), ((), ())),
                               preferred_element_type=jnp.float32)
        idx = jnp.clip(idxf.astype(jnp.int32), 0, S - 1)
        zidx = B * S + (frames & (S - 1))
        gidx_ref[pl.ds(r, 1), :] = jnp.where(frames < mlen, idx + b * S, zidx)
        mask_ref[pl.ds(r, 1), :] = (frames >= mlen).astype(jnp.int32)


def _a_call(src_lens, x, dur, pt, et, pemb, eemb,
            blo_p, bhi_p, blo_e, bhi_e):
    out_shape = (
        jax.ShapeDtypeStruct((B + 1, S, E), jnp.float32),
        jax.ShapeDtypeStruct((B, MAXL), jnp.int32),
        jax.ShapeDtypeStruct((B, 1, 128), jnp.int32),
        jax.ShapeDtypeStruct((B, MAXL), jnp.int32),
    )

    def full(shape):
        return pl.BlockSpec(shape, lambda b, n=len(shape): (0,) * n)

    def row8(n):
        return pl.BlockSpec((8, n), lambda b: (jnp.minimum(b, B - 1) // 8, 0))

    return pl.pallas_call(
        _a_body,
        grid=(B + 1,),
        in_specs=[
            pl.BlockSpec(memory_space=pltpu.SMEM),
            pl.BlockSpec((1, S, E),
                         lambda b: (jnp.minimum(b, B - 1), 0, 0)),
            row8(S),
            row8(S),
            row8(S),
            full((N_BINS, E)), full((N_BINS, E)),
            full((N_BINS, 1)), full((N_BINS, 1)),
            full((N_BINS, 1)), full((N_BINS, 1)),
        ],
        out_specs=[
            pl.BlockSpec((1, S, E), lambda b: (b, 0, 0)),
            row8(MAXL),
            pl.BlockSpec((1, 1, 128),
                         lambda b: (jnp.minimum(b, B - 1), 0, 0)),
            row8(MAXL),
        ],
        out_shape=out_shape,
    )(src_lens, x, dur, pt, et, pemb, eemb, blo_p, bhi_p, blo_e, bhi_e)


def _b_body(sl_ref, blp_ref, x_ref, w1_ref, b1_ref, beg1_ref,
            w2_ref, b2_ref, wlp_ref,
            logd_ref, pp_ref, ep_ref):
    b = pl.program_id(0)

    def mmf32(a, w):
        return lax.dot_general(a, w, (((1,), (0,)), ((), ())),
                               preferred_element_type=jnp.float32)

    def rowdot(a, h):
        return lax.dot_general(a, h, (((1,), (1,)), ((), ())),
                               preferred_element_type=jnp.float32)

    def mkcat(v, zr):
        return jnp.concatenate(
            [jnp.concatenate([zr, v[:-1]], axis=0), v,
             jnp.concatenate([v[1:], zr], axis=0)], axis=1)

    zrow = jnp.zeros((1, E), jnp.float32)
    xcat2 = jnp.concatenate(
        [mkcat(x_ref[k], zrow) for k in range(4)],
        axis=0).astype(jnp.bfloat16)

    h_all = jnp.maximum(mmf32(xcat2, w1_ref[...]) + b1_ref[...], 0.0)

    def predictor(i, out_ref):
        h = h_all[:, i * FILT:(i + 1) * FILT]
        m = jnp.mean(h, axis=-1, keepdims=True)
        q = jnp.mean(h * h, axis=-1, keepdims=True)
        s = lax.rsqrt(q - m * m + 1e-5)
        v = ((h - m) * s + beg1_ref[i][None, :]).astype(jnp.bfloat16)
        zr = jnp.zeros((1, FILT), jnp.bfloat16)
        vcat2 = jnp.concatenate(
            [mkcat(v[k * S:(k + 1) * S], zr) for k in range(4)], axis=0)
        h2 = jnp.maximum(mmf32(vcat2, w2_ref[i]) + b2_ref[i][None, :], 0.0)
        m2 = jnp.mean(h2, axis=-1, keepdims=True)
        q2 = jnp.mean(h2 * h2, axis=-1, keepdims=True)
        s2 = lax.rsqrt(q2 - m2 * m2 + 1e-5)
        c2 = (h2 - m2) * s2
        o = rowdot(wlp_ref[i], c2) + blp_ref[i, 0]
        for k in range(4):
            sl = sl_ref[4 * b + k]
            padr = lax.broadcasted_iota(jnp.int32, (1, S), 1) >= sl
            out_ref[pl.ds(4 * lax.rem(b, 2) + k, 1), :] = jnp.where(
                padr, 0.0, o[:, k * S:(k + 1) * S])

    predictor(0, logd_ref)
    predictor(1, pp_ref)
    predictor(2, ep_ref)


def _b_call(src_lens, blp, x, w1all, b1all, beg1, W2p, b2s, wlp):
    out_shape = (
        jax.ShapeDtypeStruct((B, S), jnp.float32),
        jax.ShapeDtypeStruct((B, S), jnp.float32),
        jax.ShapeDtypeStruct((B, S), jnp.float32),
    )

    def full(shape):
        return pl.BlockSpec(shape, lambda b, n=len(shape): (0,) * n)

    def row8(n):
        return pl.BlockSpec((8, n), lambda b: (b // 2, 0))

    return pl.pallas_call(
        _b_body,
        grid=(B // 4,),
        in_specs=[
            pl.BlockSpec(memory_space=pltpu.SMEM),
            pl.BlockSpec(memory_space=pltpu.SMEM),
            pl.BlockSpec((4, S, E), lambda b: (b, 0, 0)),
            full((3 * E, 3 * FILT)),
            full((1, 3 * FILT)),
            full((3, FILT)),
            full((3, 3 * FILT, FILT)),
            full((3, FILT)),
            full((3, 1, FILT)),
        ],
        out_specs=[row8(S), row8(S), row8(S)],
        out_shape=out_shape,
    )(src_lens, blp, x, w1all, b1all, beg1, W2p, b2s, wlp)


def _sc_gather(x2f, gidxf):
    mesh = plsc.VectorSubcoreMesh(core_axis_name="c", subcore_axis_name="s")

    @functools.partial(
        pl.kernel,
        mesh=mesh,
        out_type=jax.ShapeDtypeStruct((B * MAXL, E), jnp.float32),
        scratch_types=[
            pltpu.VMEM((FPW,), jnp.int32),
            pltpu.VMEM((CH, E), jnp.float32),
            pltpu.VMEM((CH, E), jnp.float32),
            pltpu.SemaphoreType.DMA,
            pltpu.SemaphoreType.DMA,
        ],
    )
    def k(x2_hbm, gidx_hbm, out_hbm, idx_v, buf0, buf1, sem0, sem1):
        cid = lax.axis_index("c")
        sid = lax.axis_index("s")
        wid = sid * NC + cid
        base = wid * FPW
        pltpu.sync_copy(gidx_hbm.at[pl.ds(base, FPW)], idx_v)
        bufs = (buf0, buf1)
        sems = (sem0, sem1)
        nch = FPW // CH
        cps = [None] * nch
        cps[0] = pltpu.async_copy(x2_hbm.at[idx_v.at[pl.ds(0, CH)]],
                                  bufs[0], sems[0])
        for ci in range(nch):
            if ci + 1 < nch:
                cps[ci + 1] = pltpu.async_copy(
                    x2_hbm.at[idx_v.at[pl.ds((ci + 1) * CH, CH)]],
                    bufs[(ci + 1) % 2], sems[(ci + 1) % 2])
            cps[ci].wait()
            pltpu.sync_copy(bufs[ci % 2],
                            out_hbm.at[pl.ds(base + ci * CH, CH)])

    return k(x2f, gidxf)


def kernel(x, src_lens, duration_target, pitch_target, energy_target,
           max_len, W1s, b1s, g1s, be1s, W2s, b2s, g2s, be2s, Wls, bls,
           pitch_emb, energy_emb, pitch_bins, energy_bins):
    ninf = jnp.full((1,), -jnp.inf, jnp.float32)
    pinf = jnp.full((1,), jnp.inf, jnp.float32)
    blo_p = jnp.concatenate([ninf, pitch_bins]).reshape(N_BINS, 1)
    bhi_p = jnp.concatenate([pitch_bins, pinf]).reshape(N_BINS, 1)
    blo_e = jnp.concatenate([ninf, energy_bins]).reshape(N_BINS, 1)
    bhi_e = jnp.concatenate([energy_bins, pinf]).reshape(N_BINS, 1)

    x2p, gidx2, mlen3, mask2 = _a_call(
        src_lens, x, duration_target, pitch_target, energy_target,
        pitch_emb, energy_emb, blo_p, bhi_p, blo_e, bhi_e)

    mel = _sc_gather(x2p.reshape((B + 1) * S, E), gidx2.reshape(B * MAXL))

    w1all = jnp.concatenate(
        [W1s[i].reshape(3 * E, FILT) for i in range(3)],
        axis=1).astype(jnp.bfloat16)
    b1all = b1s.reshape(1, 3 * FILT)
    beg1 = be1s / g1s
    W2p = (W2s * g1s[:, None, :, None]).reshape(
        3, 3 * FILT, FILT).astype(jnp.bfloat16)
    wlp = (g2s * Wls[:, :, 0]).reshape(3, 1, FILT)
    blp = bls + jnp.sum(be2s * Wls[:, :, 0], axis=1, keepdims=True)

    logd, pp, ep = _b_call(src_lens, blp, x, w1all, b1all, beg1,
                           W2p, b2s, wlp)

    return (mel.reshape(B, MAXL, E), logd, pp, ep,
            mlen3[:, 0, 0], mask2.astype(bool))

# --- scband reference (transcript-rebuilt; emitter-appended) ---
"""Pipeline reference for scband-variance-adaptor-27968827031685 (READ-ONLY COPY).

The authoritative reference and input builder live on the scoring server;
editing this copy changes nothing except your own understanding.
"""

import jax, jax.numpy as jnp
import numpy as np

B, S, E = 16, 512, 256
FILT = 256
KS = 3
N_BINS = 256
MAX_LEN = 2048


def setup_inputs(seed: int = 0) -> dict:
    key = jax.random.key(seed)
    ks = jax.random.split(key, 24)
    inp = {}
    inp['x'] = jax.random.normal(ks[0], (B, S, E), dtype=jnp.float32)
    inp['src_lens'] = jax.random.randint(ks[1], (B,), 256, S + 1)
    inp['duration_target'] = jax.random.randint(ks[2], (B, S), 1, 8)
    inp['pitch_target'] = jax.random.normal(ks[3], (B, S), dtype=jnp.float32)
    inp['energy_target'] = jax.random.normal(ks[4], (B, S), dtype=jnp.float32)
    inp['max_len'] = MAX_LEN
    # stacked params for the 3 variance predictors (0=duration, 1=pitch, 2=energy)
    inp['W1s'] = jax.random.normal(ks[5], (3, KS, E, FILT), dtype=jnp.float32) * 0.05
    inp['b1s'] = jnp.zeros((3, FILT), dtype=jnp.float32)
    inp['g1s'] = jnp.ones((3, FILT), dtype=jnp.float32)
    inp['be1s'] = jnp.zeros((3, FILT), dtype=jnp.float32)
    inp['W2s'] = jax.random.normal(ks[6], (3, KS, FILT, FILT), dtype=jnp.float32) * 0.05
    inp['b2s'] = jnp.zeros((3, FILT), dtype=jnp.float32)
    inp['g2s'] = jnp.ones((3, FILT), dtype=jnp.float32)
    inp['be2s'] = jnp.zeros((3, FILT), dtype=jnp.float32)
    inp['Wls'] = jax.random.normal(ks[7], (3, FILT, 1), dtype=jnp.float32) * 0.05
    inp['bls'] = jnp.zeros((3, 1), dtype=jnp.float32)
    inp['pitch_emb'] = jax.random.normal(ks[8], (N_BINS, E), dtype=jnp.float32) * 0.05
    inp['energy_emb'] = jax.random.normal(ks[9], (N_BINS, E), dtype=jnp.float32) * 0.05
    inp['pitch_bins'] = jnp.linspace(-3.0, 3.0, N_BINS - 1, dtype=jnp.float32)
    inp['energy_bins'] = jnp.linspace(-3.0, 3.0, N_BINS - 1, dtype=jnp.float32)
    return inp


def _conv1d(h, W, b):
    # h: [B, S, Cin], W: [K, Cin, Cout]
    return jax.lax.conv_general_dilated(h, W, (1,), 'SAME', dimension_numbers=('NWC', 'WIO', 'NWC')) + b


def _ln(h, g, b):
    m = h.mean(-1, keepdims=True)
    v = h.var(-1, keepdims=True)
    return (h - m) / jnp.sqrt(v + 1e-5) * g + b


def reference(x, src_lens, duration_target, pitch_target, energy_target, max_len,
              W1s, b1s, g1s, be1s, W2s, b2s, g2s, be2s, Wls, bls,
              pitch_emb, energy_emb, pitch_bins, energy_bins):
    Bx, Sx, Ex = x.shape
    src_mask = jnp.arange(Sx)[None, :] >= src_lens[:, None]  # True = padding

    def predictor(i, h):
        h = jax.nn.relu(_conv1d(h, W1s[i], b1s[i]))
        h = _ln(h, g1s[i], be1s[i])
        h = jax.nn.relu(_conv1d(h, W2s[i], b2s[i]))
        h = _ln(h, g2s[i], be2s[i])
        o = (h @ Wls[i] + bls[i])[..., 0]
        return jnp.where(src_mask, 0.0, o)

    log_duration_prediction = predictor(0, x)
    pitch_prediction = predictor(1, x)
    energy_prediction = predictor(2, x)

    # variance embeddings from targets (training mode), added at phoneme level
    p_idx = jnp.clip(jnp.digitize(pitch_target, pitch_bins), 0, pitch_emb.shape[0] - 1)
    x = x + jnp.take(pitch_emb, p_idx, axis=0)
    e_idx = jnp.clip(jnp.digitize(energy_target, energy_bins), 0, energy_emb.shape[0] - 1)
    x = x + jnp.take(energy_emb, e_idx, axis=0)

    # length regulator: expand each phoneme vector duration_target[b,i] times (gather)
    d = jnp.where(src_mask, 0, duration_target)
    cum = jnp.cumsum(d, axis=1)
    frames = jnp.arange(MAX_LEN)
    idx = jax.vmap(lambda c: jnp.searchsorted(c, frames, side='right'))(cum)
    idx = jnp.clip(idx, 0, Sx - 1)
    mel = jnp.take_along_axis(x, idx[:, :, None], axis=1)
    mel_len = jnp.minimum(cum[:, -1], max_len)
    mel_mask = frames[None, :] >= mel_len[:, None]
    mel = jnp.where(mel_mask[..., None], 0.0, mel)
    return mel, log_duration_prediction, pitch_prediction, energy_prediction, mel_len, mel_mask

if __name__ == "__main__":
    import jax
    _d = setup_inputs()
    print(jax.jit(kernel)(*tuple(_d.values())))

</pallas_src>

<mosaic_0001>
#map = affine_map<(d0, d1) -> (0, 0)>
#map1 = affine_map<(d0, d1) -> (0)>
module attributes {stable_mosaic.version = 14 : i64} {
  func.func @k(%arg0: i32, %arg1: i32, %arg2: memref<8704x256xf32, #tpu.memory_space<hbm>>, %arg3: memref<32768xi32, #tpu.memory_space<hbm>>, %arg4: memref<32768x256xf32, #tpu.memory_space<hbm>>, %arg5: memref<1024xi32, #tpu.memory_space<vmem>>, %arg6: memref<128x256xf32, #tpu.memory_space<vmem>>, %arg7: memref<128x256xf32, #tpu.memory_space<vmem>>, %arg8: memref<!tpu.dma_semaphore, #tpu.memory_space<semaphore_mem>>, %arg9: memref<!tpu.dma_semaphore, #tpu.memory_space<semaphore_mem>>) attributes {dimension_semantics = [#tpu.dimension_semantics<core_parallel>, #tpu.dimension_semantics<subcore_parallel>], iteration_bounds = array<i64: 2, 16>, scalar_prefetch = 0 : i64, scratch_operands = 5 : i64, tpu.core_type = #tpu.core_type<sc_vector_subcore>, window_params = [{transform_indices = #map}, {transform_indices = #map1}, {transform_indices = #map}]} {
    %mul3A = arith.constant 2 : i32
    %mul3A_0 = arith.muli %arg1, %mul3A : i32
    %add3A = arith.addi %mul3A_0, %arg0 : i32
    %mul3A_1 = arith.constant 1024 : i32
    %mul3A_2 = arith.muli %add3A, %mul3A_1 : i32
    "tpu.region"() ({
      %run_scoped3A = tpu.sem_alloc : memref<!tpu.dma_semaphore, #tpu.memory_space<semaphore_mem>>
      %dma_start3A_97 = tpu.memref_slice %arg3[%mul3A_2] : memref<32768xi32, #tpu.memory_space<hbm>> -> memref<1024xi32, #tpu.memory_space<hbm>>
      %dma_start3A_98 = tpu.memref_slice %arg3[%mul3A_2] : memref<32768xi32, #tpu.memory_space<hbm>> -> memref<1024xi32, #tpu.memory_space<hbm>>
      tpu.enqueue_dma source(%dma_start3A_98 : memref<1024xi32, #tpu.memory_space<hbm>>) target(%arg5 : memref<1024xi32, #tpu.memory_space<vmem>>) target_semaphore(%run_scoped3A : memref<!tpu.dma_semaphore, #tpu.memory_space<semaphore_mem>>)
      %dma_wait3A_99 = tpu.memref_slice %arg3[%mul3A_2] : memref<32768xi32, #tpu.memory_space<hbm>> -> memref<1024xi32, #tpu.memory_space<hbm>>
      %dma_wait3A_100 = tpu.memref_slice %arg3[%mul3A_2] : memref<32768xi32, #tpu.memory_space<hbm>> -> memref<1024xi32, #tpu.memory_space<hbm>>
      tpu.wait_dma2 semaphore(%run_scoped3A : memref<!tpu.dma_semaphore, #tpu.memory_space<semaphore_mem>>) src(%dma_wait3A_100 : memref<1024xi32, #tpu.memory_space<hbm>>) dst(%arg5 : memref<1024xi32, #tpu.memory_space<vmem>>)
      tpu.yield
    }) : () -> ()
    %dma_start3A = arith.constant 0 : i32
    %dma_start3A_3 = tpu.memref_slice %arg5[%dma_start3A] : memref<1024xi32, #tpu.memory_space<vmem>> -> memref<128xi32, #tpu.memory_space<vmem>>
    %dma_start3A_4 = arith.constant 0 : i32
    %dma_start3A_5 = arith.constant 0 : i32
    %dma_start3A_6 = tpu.memref_slice %arg2[%dma_start3A_4, %dma_start3A_5] : memref<8704x256xf32, #tpu.memory_space<hbm>> -> memref<8704x256xf32, #tpu.memory_space<hbm>>
    tpu.enqueue_indirect_dma source(%dma_start3A_6 : memref<8704x256xf32, #tpu.memory_space<hbm>>) target(%arg6 : memref<128x256xf32, #tpu.memory_space<vmem>>) offsets(%dma_start3A_3 : memref<128xi32, #tpu.memory_space<vmem>>) semaphore(%arg8 : memref<!tpu.dma_semaphore, #tpu.memory_space<semaphore_mem>>)
    %dma_start3A_7 = arith.constant 128 : i32
    %dma_start3A_8 = tpu.memref_slice %arg5[%dma_start3A_7] : memref<1024xi32, #tpu.memory_space<vmem>> -> memref<128xi32, #tpu.memory_space<vmem>>
    %dma_start3A_9 = arith.constant 0 : i32
    %dma_start3A_10 = arith.constant 0 : i32
    %dma_start3A_11 = tpu.memref_slice %arg2[%dma_start3A_9, %dma_start3A_10] : memref<8704x256xf32, #tpu.memory_space<hbm>> -> memref<8704x256xf32, #tpu.memory_space<hbm>>
    tpu.enqueue_indirect_dma source(%dma_start3A_11 : memref<8704x256xf32, #tpu.memory_space<hbm>>) target(%arg7 : memref<128x256xf32, #tpu.memory_space<vmem>>) offsets(%dma_start3A_8 : memref<128xi32, #tpu.memory_space<vmem>>) semaphore(%arg9 : memref<!tpu.dma_semaphore, #tpu.memory_space<semaphore_mem>>)
    %dma_wait3A = arith.constant 0 : i32
    %dma_wait3A_12 = tpu.memref_slice %arg5[%dma_wait3A] : memref<1024xi32, #tpu.memory_space<vmem>> -> memref<128xi32, #tpu.memory_space<vmem>>
    %dma_wait3A_13 = arith.constant 0 : i32
    %dma_wait3A_14 = arith.constant 0 : i32
    %dma_wait3A_15 = tpu.memref_slice %arg2[%dma_wait3A_13, %dma_wait3A_14] : memref<8704x256xf32, #tpu.memory_space<hbm>> -> memref<8704x256xf32, #tpu.memory_space<hbm>>
    tpu.wait_indirect_dma semaphore(%arg8 : memref<!tpu.dma_semaphore, #tpu.memory_space<semaphore_mem>>) src(%dma_wait3A_15 : memref<8704x256xf32, #tpu.memory_space<hbm>>) dst(%arg6 : memref<128x256xf32, #tpu.memory_space<vmem>>)
    %add3A_16 = arith.constant 0 : i32
    %add3A_17 = arith.addi %mul3A_2, %add3A_16 : i32
    "tpu.region"() ({
      %run_scoped3A = tpu.sem_alloc : memref<!tpu.dma_semaphore, #tpu.memory_space<semaphore_mem>>
      %dma_start3A_97 = arith.constant 0 : i32
      %dma_start3A_98 = tpu.memref_slice %arg4[%add3A_17, %dma_start3A_97] : memref<32768x256xf32, #tpu.memory_space<hbm>> -> memref<128x256xf32, #tpu.memory_space<hbm>>
      %dma_start3A_99 = arith.constant 0 : i32
      %dma_start3A_100 = tpu.memref_slice %arg4[%add3A_17, %dma_start3A_99] : memref<32768x256xf32, #tpu.memory_space<hbm>> -> memref<128x256xf32, #tpu.memory_space<hbm>>
      tpu.enqueue_dma source(%arg6 : memref<128x256xf32, #tpu.memory_space<vmem>>) target(%dma_start3A_100 : memref<128x256xf32, #tpu.memory_space<hbm>>) target_semaphore(%run_scoped3A : memref<!tpu.dma_semaphore, #tpu.memory_space<semaphore_mem>>)
      %dma_wait3A_101 = arith.constant 0 : i32
      %dma_wait3A_102 = tpu.memref_slice %arg4[%add3A_17, %dma_wait3A_101] : memref<32768x256xf32, #tpu.memory_space<hbm>> -> memref<128x256xf32, #tpu.memory_space<hbm>>
      %dma_wait3A_103 = arith.constant 0 : i32
      %dma_wait3A_104 = tpu.memref_slice %arg4[%add3A_17, %dma_wait3A_103] : memref<32768x256xf32, #tpu.memory_space<hbm>> -> memref<128x256xf32, #tpu.memory_space<hbm>>
      tpu.wait_dma2 semaphore(%run_scoped3A : memref<!tpu.dma_semaphore, #tpu.memory_space<semaphore_mem>>) src(%arg6 : memref<128x256xf32, #tpu.memory_space<vmem>>) dst(%dma_wait3A_104 : memref<128x256xf32, #tpu.memory_space<hbm>>)
      tpu.yield
    }) : () -> ()
    %dma_start3A_18 = arith.constant 256 : i32
    %dma_start3A_19 = tpu.memref_slice %arg5[%dma_start3A_18] : memref<1024xi32, #tpu.memory_space<vmem>> -> memref<128xi32, #tpu.memory_space<vmem>>
    %dma_start3A_20 = arith.constant 0 : i32
    %dma_start3A_21 = arith.constant 0 : i32
    %dma_start3A_22 = tpu.memref_slice %arg2[%dma_start3A_20, %dma_start3A_21] : memref<8704x256xf32, #tpu.memory_space<hbm>> -> memref<8704x256xf32, #tpu.memory_space<hbm>>
    tpu.enqueue_indirect_dma source(%dma_start3A_22 : memref<8704x256xf32, #tpu.memory_space<hbm>>) target(%arg6 : memref<128x256xf32, #tpu.memory_space<vmem>>) offsets(%dma_start3A_19 : memref<128xi32, #tpu.memory_space<vmem>>) semaphore(%arg8 : memref<!tpu.dma_semaphore, #tpu.memory_space<semaphore_mem>>)
    %dma_wait3A_23 = arith.constant 128 : i32
    %dma_wait3A_24 = tpu.memref_slice %arg5[%dma_wait3A_23] : memref<1024xi32, #tpu.memory_space<vmem>> -> memref<128xi32, #tpu.memory_space<vmem>>
    %dma_wait3A_25 = arith.constant 0 : i32
    %dma_wait3A_26 = arith.constant 0 : i32
    %dma_wait3A_27 = tpu.memref_slice %arg2[%dma_wait3A_25, %dma_wait3A_26] : memref<8704x256xf32, #tpu.memory_space<hbm>> -> memref<8704x256xf32, #tpu.memory_space<hbm>>
    tpu.wait_indirect_dma semaphore(%arg9 : memref<!tpu.dma_semaphore, #tpu.memory_space<semaphore_mem>>) src(%dma_wait3A_27 : memref<8704x256xf32, #tpu.memory_space<hbm>>) dst(%arg7 : memref<128x256xf32, #tpu.memory_space<vmem>>)
    %add3A_28 = arith.constant 128 : i32
    %add3A_29 = arith.addi %mul3A_2, %add3A_28 : i32
    "tpu.region"() ({
      %run_scoped3A = tpu.sem_alloc : memref<!tpu.dma_semaphore, #tpu.memory_space<semaphore_mem>>
      %dma_start3A_97 = arith.constant 0 : i32
      %dma_start3A_98 = tpu.memref_slice %arg4[%add3A_29, %dma_start3A_97] : memref<32768x256xf32, #tpu.memory_space<hbm>> -> memref<128x256xf32, #tpu.memory_space<hbm>>
      %dma_start3A_99 = arith.constant 0 : i32
      %dma_start3A_100 = tpu.memref_slice %arg4[%add3A_29, %dma_start3A_99] : memref<32768x256xf32, #tpu.memory_space<hbm>> -> memref<128x256xf32, #tpu.memory_space<hbm>>
      tpu.enqueue_dma source(%arg7 : memref<128x256xf32, #tpu.memory_space<vmem>>) target(%dma_start3A_100 : memref<128x256xf32, #tpu.memory_space<hbm>>) target_semaphore(%run_scoped3A : memref<!tpu.dma_semaphore, #tpu.memory_space<semaphore_mem>>)
      %dma_wait3A_101 = arith.constant 0 : i32
      %dma_wait3A_102 = tpu.memref_slice %arg4[%add3A_29, %dma_wait3A_101] : memref<32768x256xf32, #tpu.memory_space<hbm>> -> memref<128x256xf32, #tpu.memory_space<hbm>>
      %dma_wait3A_103 = arith.constant 0 : i32
      %dma_wait3A_104 = tpu.memref_slice %arg4[%add3A_29, %dma_wait3A_103] : memref<32768x256xf32, #tpu.memory_space<hbm>> -> memref<128x256xf32, #tpu.memory_space<hbm>>
      tpu.wait_dma2 semaphore(%run_scoped3A : memref<!tpu.dma_semaphore, #tpu.memory_space<semaphore_mem>>) src(%arg7 : memref<128x256xf32, #tpu.memory_space<vmem>>) dst(%dma_wait3A_104 : memref<128x256xf32, #tpu.memory_space<hbm>>)
      tpu.yield
    }) : () -> ()
    %dma_start3A_30 = arith.constant 384 : i32
    %dma_start3A_31 = tpu.memref_slice %arg5[%dma_start3A_30] : memref<1024xi32, #tpu.memory_space<vmem>> -> memref<128xi32, #tpu.memory_space<vmem>>
    %dma_start3A_32 = arith.constant 0 : i32
    %dma_start3A_33 = arith.constant 0 : i32
    %dma_start3A_34 = tpu.memref_slice %arg2[%dma_start3A_32, %dma_start3A_33] : memref<8704x256xf32, #tpu.memory_space<hbm>> -> memref<8704x256xf32, #tpu.memory_space<hbm>>
    tpu.enqueue_indirect_dma source(%dma_start3A_34 : memref<8704x256xf32, #tpu.memory_space<hbm>>) target(%arg7 : memref<128x256xf32, #tpu.memory_space<vmem>>) offsets(%dma_start3A_31 : memref<128xi32, #tpu.memory_space<vmem>>) semaphore(%arg9 : memref<!tpu.dma_semaphore, #tpu.memory_space<semaphore_mem>>)
    %dma_wait3A_35 = arith.constant 256 : i32
    %dma_wait3A_36 = tpu.memref_slice %arg5[%dma_wait3A_35] : memref<1024xi32, #tpu.memory_space<vmem>> -> memref<128xi32, #tpu.memory_space<vmem>>
    %dma_wait3A_37 = arith.constant 0 : i32
    %dma_wait3A_38 = arith.constant 0 : i32
    %dma_wait3A_39 = tpu.memref_slice %arg2[%dma_wait3A_37, %dma_wait3A_38] : memref<8704x256xf32, #tpu.memory_space<hbm>> -> memref<8704x256xf32, #tpu.memory_space<hbm>>
    tpu.wait_indirect_dma semaphore(%arg8 : memref<!tpu.dma_semaphore, #tpu.memory_space<semaphore_mem>>) src(%dma_wait3A_39 : memref<8704x256xf32, #tpu.memory_space<hbm>>) dst(%arg6 : memref<128x256xf32, #tpu.memory_space<vmem>>)
    %add3A_40 = arith.constant 256 : i32
    %add3A_41 = arith.addi %mul3A_2, %add3A_40 : i32
    "tpu.region"() ({
      %run_scoped3A = tpu.sem_alloc : memref<!tpu.dma_semaphore, #tpu.memory_space<semaphore_mem>>
      %dma_start3A_97 = arith.constant 0 : i32
      %dma_start3A_98 = tpu.memref_slice %arg4[%add3A_41, %dma_start3A_97] : memref<32768x256xf32, #tpu.memory_space<hbm>> -> memref<128x256xf32, #tpu.memory_space<hbm>>
      %dma_start3A_99 = arith.constant 0 : i32
      %dma_start3A_100 = tpu.memref_slice %arg4[%add3A_41, %dma_start3A_99] : memref<32768x256xf32, #tpu.memory_space<hbm>> -> memref<128x256xf32, #tpu.memory_space<hbm>>
      tpu.enqueue_dma source(%arg6 : memref<128x256xf32, #tpu.memory_space<vmem>>) target(%dma_start3A_100 : memref<128x256xf32, #tpu.memory_space<hbm>>) target_semaphore(%run_scoped3A : memref<!tpu.dma_semaphore, #tpu.memory_space<semaphore_mem>>)
      %dma_wait3A_101 = arith.constant 0 : i32
      %dma_wait3A_102 = tpu.memref_slice %arg4[%add3A_41, %dma_wait3A_101] : memref<32768x256xf32, #tpu.memory_space<hbm>> -> memref<128x256xf32, #tpu.memory_space<hbm>>
      %dma_wait3A_103 = arith.constant 0 : i32
      %dma_wait3A_104 = tpu.memref_slice %arg4[%add3A_41, %dma_wait3A_103] : memref<32768x256xf32, #tpu.memory_space<hbm>> -> memref<128x256xf32, #tpu.memory_space<hbm>>
      tpu.wait_dma2 semaphore(%run_scoped3A : memref<!tpu.dma_semaphore, #tpu.memory_space<semaphore_mem>>) src(%arg6 : memref<128x256xf32, #tpu.memory_space<vmem>>) dst(%dma_wait3A_104 : memref<128x256xf32, #tpu.memory_space<hbm>>)
      tpu.yield
    }) : () -> ()
    %dma_start3A_42 = arith.constant 512 : i32
    %dma_start3A_43 = tpu.memref_slice %arg5[%dma_start3A_42] : memref<1024xi32, #tpu.memory_space<vmem>> -> memref<128xi32, #tpu.memory_space<vmem>>
    %dma_start3A_44 = arith.constant 0 : i32
    %dma_start3A_45 = arith.constant 0 : i32
    %dma_start3A_46 = tpu.memref_slice %arg2[%dma_start3A_44, %dma_start3A_45] : memref<8704x256xf32, #tpu.memory_space<hbm>> -> memref<8704x256xf32, #tpu.memory_space<hbm>>
    tpu.enqueue_indirect_dma source(%dma_start3A_46 : memref<8704x256xf32, #tpu.memory_space<hbm>>) target(%arg6 : memref<128x256xf32, #tpu.memory_space<vmem>>) offsets(%dma_start3A_43 : memref<128xi32, #tpu.memory_space<vmem>>) semaphore(%arg8 : memref<!tpu.dma_semaphore, #tpu.memory_space<semaphore_mem>>)
    %dma_wait3A_47 = arith.constant 384 : i32
    %dma_wait3A_48 = tpu.memref_slice %arg5[%dma_wait3A_47] : memref<1024xi32, #tpu.memory_space<vmem>> -> memref<128xi32, #tpu.memory_space<vmem>>
    %dma_wait3A_49 = arith.constant 0 : i32
    %dma_wait3A_50 = arith.constant 0 : i32
    %dma_wait3A_51 = tpu.memref_slice %arg2[%dma_wait3A_49, %dma_wait3A_50] : memref<8704x256xf32, #tpu.memory_space<hbm>> -> memref<8704x256xf32, #tpu.memory_space<hbm>>
    tpu.wait_indirect_dma semaphore(%arg9 : memref<!tpu.dma_semaphore, #tpu.memory_space<semaphore_mem>>) src(%dma_wait3A_51 : memref<8704x256xf32, #tpu.memory_space<hbm>>) dst(%arg7 : memref<128x256xf32, #tpu.memory_space<vmem>>)
    %add3A_52 = arith.constant 384 : i32
    %add3A_53 = arith.addi %mul3A_2, %add3A_52 : i32
    "tpu.region"() ({
      %run_scoped3A = tpu.sem_alloc : memref<!tpu.dma_semaphore, #tpu.memory_space<semaphore_mem>>
      %dma_start3A_97 = arith.constant 0 : i32
      %dma_start3A_98 = tpu.memref_slice %arg4[%add3A_53, %dma_start3A_97] : memref<32768x256xf32, #tpu.memory_space<hbm>> -> memref<128x256xf32, #tpu.memory_space<hbm>>
      %dma_start3A_99 = arith.constant 0 : i32
      %dma_start3A_100 = tpu.memref_slice %arg4[%add3A_53, %dma_start3A_99] : memref<32768x256xf32, #tpu.memory_space<hbm>> -> memref<128x256xf32, #tpu.memory_space<hbm>>
      tpu.enqueue_dma source(%arg7 : memref<128x256xf32, #tpu.memory_space<vmem>>) target(%dma_start3A_100 : memref<128x256xf32, #tpu.memory_space<hbm>>) target_semaphore(%run_scoped3A : memref<!tpu.dma_semaphore, #tpu.memory_space<semaphore_mem>>)
      %dma_wait3A_101 = arith.constant 0 : i32
      %dma_wait3A_102 = tpu.memref_slice %arg4[%add3A_53, %dma_wait3A_101] : memref<32768x256xf32, #tpu.memory_space<hbm>> -> memref<128x256xf32, #tpu.memory_space<hbm>>
      %dma_wait3A_103 = arith.constant 0 : i32
      %dma_wait3A_104 = tpu.memref_slice %arg4[%add3A_53, %dma_wait3A_103] : memref<32768x256xf32, #tpu.memory_space<hbm>> -> memref<128x256xf32, #tpu.memory_space<hbm>>
      tpu.wait_dma2 semaphore(%run_scoped3A : memref<!tpu.dma_semaphore, #tpu.memory_space<semaphore_mem>>) src(%arg7 : memref<128x256xf32, #tpu.memory_space<vmem>>) dst(%dma_wait3A_104 : memref<128x256xf32, #tpu.memory_space<hbm>>)
      tpu.yield
    }) : () -> ()
    %dma_start3A_54 = arith.constant 640 : i32
    %dma_start3A_55 = tpu.memref_slice %arg5[%dma_start3A_54] : memref<1024xi32, #tpu.memory_space<vmem>> -> memref<128xi32, #tpu.memory_space<vmem>>
    %dma_start3A_56 = arith.constant 0 : i32
    %dma_start3A_57 = arith.constant 0 : i32
    %dma_start3A_58 = tpu.memref_slice %arg2[%dma_start3A_56, %dma_start3A_57] : memref<8704x256xf32, #tpu.memory_space<hbm>> -> memref<8704x256xf32, #tpu.memory_space<hbm>>
    tpu.enqueue_indirect_dma source(%dma_start3A_58 : memref<8704x256xf32, #tpu.memory_space<hbm>>) target(%arg7 : memref<128x256xf32, #tpu.memory_space<vmem>>) offsets(%dma_start3A_55 : memref<128xi32, #tpu.memory_space<vmem>>) semaphore(%arg9 : memref<!tpu.dma_semaphore, #tpu.memory_space<semaphore_mem>>)
    %dma_wait3A_59 = arith.constant 512 : i32
    %dma_wait3A_60 = tpu.memref_slice %arg5[%dma_wait3A_59] : memref<1024xi32, #tpu.memory_space<vmem>> -> memref<128xi32, #tpu.memory_space<vmem>>
    %dma_wait3A_61 = arith.constant 0 : i32
    %dma_wait3A_62 = arith.constant 0 : i32
    %dma_wait3A_63 = tpu.memref_slice %arg2[%dma_wait3A_61, %dma_wait3A_62] : memref<8704x256xf32, #tpu.memory_space<hbm>> -> memref<8704x256xf32, #tpu.memory_space<hbm>>
    tpu.wait_indirect_dma semaphore(%arg8 : memref<!tpu.dma_semaphore, #tpu.memory_space<semaphore_mem>>) src(%dma_wait3A_63 : memref<8704x256xf32, #tpu.memory_space<hbm>>) dst(%arg6 : memref<128x256xf32, #tpu.memory_space<vmem>>)
    %add3A_64 = arith.constant 512 : i32
    %add3A_65 = arith.addi %mul3A_2, %add3A_64 : i32
    "tpu.region"() ({
      %run_scoped3A = tpu.sem_alloc : memref<!tpu.dma_semaphore, #tpu.memory_space<semaphore_mem>>
      %dma_start3A_97 = arith.constant 0 : i32
      %dma_start3A_98 = tpu.memref_slice %arg4[%add3A_65, %dma_start3A_97] : memref<32768x256xf32, #tpu.memory_space<hbm>> -> memref<128x256xf32, #tpu.memory_space<hbm>>
      %dma_start3A_99 = arith.constant 0 : i32
      %dma_start3A_100 = tpu.memref_slice %arg4[%add3A_65, %dma_start3A_99] : memref<32768x256xf32, #tpu.memory_space<hbm>> -> memref<128x256xf32, #tpu.memory_space<hbm>>
      tpu.enqueue_dma source(%arg6 : memref<128x256xf32, #tpu.memory_space<vmem>>) target(%dma_start3A_100 : memref<128x256xf32, #tpu.memory_space<hbm>>) target_semaphore(%run_scoped3A : memref<!tpu.dma_semaphore, #tpu.memory_space<semaphore_mem>>)
      %dma_wait3A_101 = arith.constant 0 : i32
      %dma_wait3A_102 = tpu.memref_slice %arg4[%add3A_65, %dma_wait3A_101] : memref<32768x256xf32, #tpu.memory_space<hbm>> -> memref<128x256xf32, #tpu.memory_space<hbm>>
      %dma_wait3A_103 = arith.constant 0 : i32
      %dma_wait3A_104 = tpu.memref_slice %arg4[%add3A_65, %dma_wait3A_103] : memref<32768x256xf32, #tpu.memory_space<hbm>> -> memref<128x256xf32, #tpu.memory_space<hbm>>
      tpu.wait_dma2 semaphore(%run_scoped3A : memref<!tpu.dma_semaphore, #tpu.memory_space<semaphore_mem>>) src(%arg6 : memref<128x256xf32, #tpu.memory_space<vmem>>) dst(%dma_wait3A_104 : memref<128x256xf32, #tpu.memory_space<hbm>>)
      tpu.yield
    }) : () -> ()
    %dma_start3A_66 = arith.constant 768 : i32
    %dma_start3A_67 = tpu.memref_slice %arg5[%dma_start3A_66] : memref<1024xi32, #tpu.memory_space<vmem>> -> memref<128xi32, #tpu.memory_space<vmem>>
    %dma_start3A_68 = arith.constant 0 : i32
    %dma_start3A_69 = arith.constant 0 : i32
    %dma_start3A_70 = tpu.memref_slice %arg2[%dma_start3A_68, %dma_start3A_69] : memref<8704x256xf32, #tpu.memory_space<hbm>> -> memref<8704x256xf32, #tpu.memory_space<hbm>>
    tpu.enqueue_indirect_dma source(%dma_start3A_70 : memref<8704x256xf32, #tpu.memory_space<hbm>>) target(%arg6 : memref<128x256xf32, #tpu.memory_space<vmem>>) offsets(%dma_start3A_67 : memref<128xi32, #tpu.memory_space<vmem>>) semaphore(%arg8 : memref<!tpu.dma_semaphore, #tpu.memory_space<semaphore_mem>>)
    %dma_wait3A_71 = arith.constant 640 : i32
    %dma_wait3A_72 = tpu.memref_slice %arg5[%dma_wait3A_71] : memref<1024xi32, #tpu.memory_space<vmem>> -> memref<128xi32, #tpu.memory_space<vmem>>
    %dma_wait3A_73 = arith.constant 0 : i32
    %dma_wait3A_74 = arith.constant 0 : i32
    %dma_wait3A_75 = tpu.memref_slice %arg2[%dma_wait3A_73, %dma_wait3A_74] : memref<8704x256xf32, #tpu.memory_space<hbm>> -> memref<8704x256xf32, #tpu.memory_space<hbm>>
    tpu.wait_indirect_dma semaphore(%arg9 : memref<!tpu.dma_semaphore, #tpu.memory_space<semaphore_mem>>) src(%dma_wait3A_75 : memref<8704x256xf32, #tpu.memory_space<hbm>>) dst(%arg7 : memref<128x256xf32, #tpu.memory_space<vmem>>)
    %add3A_76 = arith.constant 640 : i32
    %add3A_77 = arith.addi %mul3A_2, %add3A_76 : i32
    "tpu.region"() ({
      %run_scoped3A = tpu.sem_alloc : memref<!tpu.dma_semaphore, #tpu.memory_space<semaphore_mem>>
      %dma_start3A_97 = arith.constant 0 : i32
      %dma_start3A_98 = tpu.memref_slice %arg4[%add3A_77, %dma_start3A_97] : memref<32768x256xf32, #tpu.memory_space<hbm>> -> memref<128x256xf32, #tpu.memory_space<hbm>>
      %dma_start3A_99 = arith.constant 0 : i32
      %dma_start3A_100 = tpu.memref_slice %arg4[%add3A_77, %dma_start3A_99] : memref<32768x256xf32, #tpu.memory_space<hbm>> -> memref<128x256xf32, #tpu.memory_space<hbm>>
      tpu.enqueue_dma source(%arg7 : memref<128x256xf32, #tpu.memory_space<vmem>>) target(%dma_start3A_100 : memref<128x256xf32, #tpu.memory_space<hbm>>) target_semaphore(%run_scoped3A : memref<!tpu.dma_semaphore, #tpu.memory_space<semaphore_mem>>)
      %dma_wait3A_101 = arith.constant 0 : i32
      %dma_wait3A_102 = tpu.memref_slice %arg4[%add3A_77, %dma_wait3A_101] : memref<32768x256xf32, #tpu.memory_space<hbm>> -> memref<128x256xf32, #tpu.memory_space<hbm>>
      %dma_wait3A_103 = arith.constant 0 : i32
      %dma_wait3A_104 = tpu.memref_slice %arg4[%add3A_77, %dma_wait3A_103] : memref<32768x256xf32, #tpu.memory_space<hbm>> -> memref<128x256xf32, #tpu.memory_space<hbm>>
      tpu.wait_dma2 semaphore(%run_scoped3A : memref<!tpu.dma_semaphore, #tpu.memory_space<semaphore_mem>>) src(%arg7 : memref<128x256xf32, #tpu.memory_space<vmem>>) dst(%dma_wait3A_104 : memref<128x256xf32, #tpu.memory_space<hbm>>)
      tpu.yield
    }) : () -> ()
    %dma_start3A_78 = arith.constant 896 : i32
    %dma_start3A_79 = tpu.memref_slice %arg5[%dma_start3A_78] : memref<1024xi32, #tpu.memory_space<vmem>> -> memref<128xi32, #tpu.memory_space<vmem>>
    %dma_start3A_80 = arith.constant 0 : i32
    %dma_start3A_81 = arith.constant 0 : i32
    %dma_start3A_82 = tpu.memref_slice %arg2[%dma_start3A_80, %dma_start3A_81] : memref<8704x256xf32, #tpu.memory_space<hbm>> -> memref<8704x256xf32, #tpu.memory_space<hbm>>
    tpu.enqueue_indirect_dma source(%dma_start3A_82 : memref<8704x256xf32, #tpu.memory_space<hbm>>) target(%arg7 : memref<128x256xf32, #tpu.memory_space<vmem>>) offsets(%dma_start3A_79 : memref<128xi32, #tpu.memory_space<vmem>>) semaphore(%arg9 : memref<!tpu.dma_semaphore, #tpu.memory_space<semaphore_mem>>)
    %dma_wait3A_83 = arith.constant 768 : i32
    %dma_wait3A_84 = tpu.memref_slice %arg5[%dma_wait3A_83] : memref<1024xi32, #tpu.memory_space<vmem>> -> memref<128xi32, #tpu.memory_space<vmem>>
    %dma_wait3A_85 = arith.constant 0 : i32
    %dma_wait3A_86 = arith.constant 0 : i32
    %dma_wait3A_87 = tpu.memref_slice %arg2[%dma_wait3A_85, %dma_wait3A_86] : memref<8704x256xf32, #tpu.memory_space<hbm>> -> memref<8704x256xf32, #tpu.memory_space<hbm>>
    tpu.wait_indirect_dma semaphore(%arg8 : memref<!tpu.dma_semaphore, #tpu.memory_space<semaphore_mem>>) src(%dma_wait3A_87 : memref<8704x256xf32, #tpu.memory_space<hbm>>) dst(%arg6 : memref<128x256xf32, #tpu.memory_space<vmem>>)
    %add3A_88 = arith.constant 768 : i32
    %add3A_89 = arith.addi %mul3A_2, %add3A_88 : i32
    "tpu.region"() ({
      %run_scoped3A = tpu.sem_alloc : memref<!tpu.dma_semaphore, #tpu.memory_space<semaphore_mem>>
      %dma_start3A_97 = arith.constant 0 : i32
      %dma_start3A_98 = tpu.memref_slice %arg4[%add3A_89, %dma_start3A_97] : memref<32768x256xf32, #tpu.memory_space<hbm>> -> memref<128x256xf32, #tpu.memory_space<hbm>>
      %dma_start3A_99 = arith.constant 0 : i32
      %dma_start3A_100 = tpu.memref_slice %arg4[%add3A_89, %dma_start3A_99] : memref<32768x256xf32, #tpu.memory_space<hbm>> -> memref<128x256xf32, #tpu.memory_space<hbm>>
      tpu.enqueue_dma source(%arg6 : memref<128x256xf32, #tpu.memory_space<vmem>>) target(%dma_start3A_100 : memref<128x256xf32, #tpu.memory_space<hbm>>) target_semaphore(%run_scoped3A : memref<!tpu.dma_semaphore, #tpu.memory_space<semaphore_mem>>)
      %dma_wait3A_101 = arith.constant 0 : i32
      %dma_wait3A_102 = tpu.memref_slice %arg4[%add3A_89, %dma_wait3A_101] : memref<32768x256xf32, #tpu.memory_space<hbm>> -> memref<128x256xf32, #tpu.memory_space<hbm>>
      %dma_wait3A_103 = arith.constant 0 : i32
      %dma_wait3A_104 = tpu.memref_slice %arg4[%add3A_89, %dma_wait3A_103] : memref<32768x256xf32, #tpu.memory_space<hbm>> -> memref<128x256xf32, #tpu.memory_space<hbm>>
      tpu.wait_dma2 semaphore(%run_scoped3A : memref<!tpu.dma_semaphore, #tpu.memory_space<semaphore_mem>>) src(%arg6 : memref<128x256xf32, #tpu.memory_space<vmem>>) dst(%dma_wait3A_104 : memref<128x256xf32, #tpu.memory_space<hbm>>)
      tpu.yield
    }) : () -> ()
    %dma_wait3A_90 = arith.constant 896 : i32
    %dma_wait3A_91 = tpu.memref_slice %arg5[%dma_wait3A_90] : memref<1024xi32, #tpu.memory_space<vmem>> -> memref<128xi32, #tpu.memory_space<vmem>>
    %dma_wait3A_92 = arith.constant 0 : i32
    %dma_wait3A_93 = arith.constant 0 : i32
    %dma_wait3A_94 = tpu.memref_slice %arg2[%dma_wait3A_92, %dma_wait3A_93] : memref<8704x256xf32, #tpu.memory_space<hbm>> -> memref<8704x256xf32, #tpu.memory_space<hbm>>
    tpu.wait_indirect_dma semaphore(%arg9 : memref<!tpu.dma_semaphore, #tpu.memory_space<semaphore_mem>>) src(%dma_wait3A_94 : memref<8704x256xf32, #tpu.memory_space<hbm>>) dst(%arg7 : memref<128x256xf32, #tpu.memory_space<vmem>>)
    %add3A_95 = arith.constant 896 : i32
    %add3A_96 = arith.addi %mul3A_2, %add3A_95 : i32
    "tpu.region"() ({
      %run_scoped3A = tpu.sem_alloc : memref<!tpu.dma_semaphore, #tpu.memory_space<semaphore_mem>>
      %dma_start3A_97 = arith.constant 0 : i32
      %dma_start3A_98 = tpu.memref_slice %arg4[%add3A_96, %dma_start3A_97] : memref<32768x256xf32, #tpu.memory_space<hbm>> -> memref<128x256xf32, #tpu.memory_space<hbm>>
      %dma_start3A_99 = arith.constant 0 : i32
      %dma_start3A_100 = tpu.memref_slice %arg4[%add3A_96, %dma_start3A_99] : memref<32768x256xf32, #tpu.memory_space<hbm>> -> memref<128x256xf32, #tpu.memory_space<hbm>>
      tpu.enqueue_dma source(%arg7 : memref<128x256xf32, #tpu.memory_space<vmem>>) target(%dma_start3A_100 : memref<128x256xf32, #tpu.memory_space<hbm>>) target_semaphore(%run_scoped3A : memref<!tpu.dma_semaphore, #tpu.memory_space<semaphore_mem>>)
      %dma_wait3A_101 = arith.constant 0 : i32
      %dma_wait3A_102 = tpu.memref_slice %arg4[%add3A_96, %dma_wait3A_101] : memref<32768x256xf32, #tpu.memory_space<hbm>> -> memref<128x256xf32, #tpu.memory_space<hbm>>
      %dma_wait3A_103 = arith.constant 0 : i32
      %dma_wait3A_104 = tpu.memref_slice %arg4[%add3A_96, %dma_wait3A_103] : memref<32768x256xf32, #tpu.memory_space<hbm>> -> memref<128x256xf32, #tpu.memory_space<hbm>>
      tpu.wait_dma2 semaphore(%run_scoped3A : memref<!tpu.dma_semaphore, #tpu.memory_space<semaphore_mem>>) src(%arg7 : memref<128x256xf32, #tpu.memory_space<vmem>>) dst(%dma_wait3A_104 : memref<128x256xf32, #tpu.memory_space<hbm>>)
      tpu.yield
    }) : () -> ()
    return
  }
}

module attributes {stable_mosaic.version = 14 : i64} {
  func.func @_b_body(%arg0: i32, %arg1: memref<16xi32, #tpu.memory_space<smem>>, %arg2: memref<3x1xf32, #tpu.memory_space<smem>>, %arg3: memref<4x512x256xf32, #tpu.memory_space<vmem>>, %arg4: memref<768x768xbf16, #tpu.memory_space<vmem>>, %arg5: memref<1x768xf32, #tpu.memory_space<vmem>>, %arg6: memref<3x256xf32, #tpu.memory_space<vmem>>, %arg7: memref<3x768x256xbf16, #tpu.memory_space<vmem>>, %arg8: memref<3x256xf32, #tpu.memory_space<vmem>>, %arg9: memref<3x1x256xf32, #tpu.memory_space<vmem>>, %arg10: memref<8x512xf32, #tpu.memory_space<vmem>>, %arg11: memref<8x512xf32, #tpu.memory_space<vmem>>, %arg12: memref<8x512xf32, #tpu.memory_space<vmem>>) attributes {dimension_semantics = [#tpu.dimension_semantics<arbitrary>], iteration_bounds = array<i64: 4>, scalar_prefetch = 0 : i64, scratch_operands = 0 : i64, tpu.core_type = #tpu.core_type<tc>, window_params = [{transform_indices = @transform_0, window_bounds = array<i64: 16>}, {transform_indices = @transform_1, window_bounds = array<i64: 3, 1>}, {transform_indices = @transform_2, window_bounds = array<i64: 4, 512, 256>}, {pipeline_mode = #tpu.pipeline_mode<synchronous>, transform_indices = @transform_3, window_bounds = array<i64: 768, 768>}, {pipeline_mode = #tpu.pipeline_mode<synchronous>, transform_indices = @transform_4, window_bounds = array<i64: 1, 768>}, {pipeline_mode = #tpu.pipeline_mode<synchronous>, transform_indices = @transform_5, window_bounds = array<i64: 3, 256>}, {pipeline_mode = #tpu.pipeline_mode<synchronous>, transform_indices = @transform_6, window_bounds = array<i64: 3, 768, 256>}, {pipeline_mode = #tpu.pipeline_mode<synchronous>, transform_indices = @transform_7, window_bounds = array<i64: 3, 256>}, {pipeline_mode = #tpu.pipeline_mode<synchronous>, transform_indices = @transform_8, window_bounds = array<i64: 3, 1, 256>}, {transform_indices = @transform_9, window_bounds = array<i64: 8, 512>}, {transform_indices = @transform_10, window_bounds = array<i64: 8, 512>}, {transform_indices = @transform_11, window_bounds = array<i64: 8, 512>}]} {
    %broadcast_in_dim3A = arith.constant 0.000000e+00 : f32
    %broadcast_in_dim3A_0 = vector.broadcast %broadcast_in_dim3A : f32 to vector<1x256xf32>
    %get3A = arith.constant 0 : index
    %get3A_1 = arith.constant 0 : index
    %get3A_2 = arith.constant 0 : index
    %get3A_3 = vector.load %arg3[%get3A, %get3A_1, %get3A_2] : memref<4x512x256xf32, #tpu.memory_space<vmem>>, vector<1x512x256xf32>
    %get3A_4 = vector.shape_cast %get3A_3 : vector<1x512x256xf32> to vector<512x256xf32>
    %slice3A = vector.extract_strided_slice %get3A_4 {offsets = [0, 0], sizes = [511, 256], strides = [1, 1]} : vector<512x256xf32> to vector<511x256xf32>
    %concatenate3A = tpu.concatenate %broadcast_in_dim3A_0, %slice3A in 0 : vector<1x256xf32>, vector<511x256xf32> -> vector<512x256xf32>
    %slice3A_5 = vector.extract_strided_slice %get3A_4 {offsets = [1, 0], sizes = [511, 256], strides = [1, 1]} : vector<512x256xf32> to vector<511x256xf32>
    %concatenate3A_6 = tpu.concatenate %slice3A_5, %broadcast_in_dim3A_0 in 0 : vector<511x256xf32>, vector<1x256xf32> -> vector<512x256xf32>
    %concatenate3A_7 = tpu.concatenate %concatenate3A, %get3A_4, %concatenate3A_6 in 1 : vector<512x256xf32>, vector<512x256xf32>, vector<512x256xf32> -> vector<512x768xf32>
    %get3A_8 = arith.constant 1 : index
    %get3A_9 = arith.constant 0 : index
    %get3A_10 = arith.constant 0 : index
    %get3A_11 = vector.load %arg3[%get3A_8, %get3A_9, %get3A_10] : memref<4x512x256xf32, #tpu.memory_space<vmem>>, vector<1x512x256xf32>
    %get3A_12 = vector.shape_cast %get3A_11 : vector<1x512x256xf32> to vector<512x256xf32>
    %slice3A_13 = vector.extract_strided_slice %get3A_12 {offsets = [0, 0], sizes = [511, 256], strides = [1, 1]} : vector<512x256xf32> to vector<511x256xf32>
    %concatenate3A_14 = tpu.concatenate %broadcast_in_dim3A_0, %slice3A_13 in 0 : vector<1x256xf32>, vector<511x256xf32> -> vector<512x256xf32>
    %slice3A_15 = vector.extract_strided_slice %get3A_12 {offsets = [1, 0], sizes = [511, 256], strides = [1, 1]} : vector<512x256xf32> to vector<511x256xf32>
    %concatenate3A_16 = tpu.concatenate %slice3A_15, %broadcast_in_dim3A_0 in 0 : vector<511x256xf32>, vector<1x256xf32> -> vector<512x256xf32>
    %concatenate3A_17 = tpu.concatenate %concatenate3A_14, %get3A_12, %concatenate3A_16 in 1 : vector<512x256xf32>, vector<512x256xf32>, vector<512x256xf32> -> vector<512x768xf32>
    %get3A_18 = arith.constant 2 : index
    %get3A_19 = arith.constant 0 : index
    %get3A_20 = arith.constant 0 : index
    %get3A_21 = vector.load %arg3[%get3A_18, %get3A_19, %get3A_20] : memref<4x512x256xf32, #tpu.memory_space<vmem>>, vector<1x512x256xf32>
    %get3A_22 = vector.shape_cast %get3A_21 : vector<1x512x256xf32> to vector<512x256xf32>
    %slice3A_23 = vector.extract_strided_slice %get3A_22 {offsets = [0, 0], sizes = [511, 256], strides = [1, 1]} : vector<512x256xf32> to vector<511x256xf32>
    %concatenate3A_24 = tpu.concatenate %broadcast_in_dim3A_0, %slice3A_23 in 0 : vector<1x256xf32>, vector<511x256xf32> -> vector<512x256xf32>
    %slice3A_25 = vector.extract_strided_slice %get3A_22 {offsets = [1, 0], sizes = [511, 256], strides = [1, 1]} : vector<512x256xf32> to vector<511x256xf32>
    %concatenate3A_26 = tpu.concatenate %slice3A_25, %broadcast_in_dim3A_0 in 0 : vector<511x256xf32>, vector<1x256xf32> -> vector<512x256xf32>
    %concatenate3A_27 = tpu.concatenate %concatenate3A_24, %get3A_22, %concatenate3A_26 in 1 : vector<512x256xf32>, vector<512x256xf32>, vector<512x256xf32> -> vector<512x768xf32>
    %get3A_28 = arith.constant 3 : index
    %get3A_29 = arith.constant 0 : index
    %get3A_30 = arith.constant 0 : index
    %get3A_31 = vector.load %arg3[%get3A_28, %get3A_29, %get3A_30] : memref<4x512x256xf32, #tpu.memory_space<vmem>>, vector<1x512x256xf32>
    %get3A_32 = vector.shape_cast %get3A_31 : vector<1x512x256xf32> to vector<512x256xf32>
    %slice3A_33 = vector.extract_strided_slice %get3A_32 {offsets = [0, 0], sizes = [511, 256], strides = [1, 1]} : vector<512x256xf32> to vector<511x256xf32>
    %concatenate3A_34 = tpu.concatenate %broadcast_in_dim3A_0, %slice3A_33 in 0 : vector<1x256xf32>, vector<511x256xf32> -> vector<512x256xf32>
    %slice3A_35 = vector.extract_strided_slice %get3A_32 {offsets = [1, 0], sizes = [511, 256], strides = [1, 1]} : vector<512x256xf32> to vector<511x256xf32>
    %concatenate3A_36 = tpu.concatenate %slice3A_35, %broadcast_in_dim3A_0 in 0 : vector<511x256xf32>, vector<1x256xf32> -> vector<512x256xf32>
    %concatenate3A_37 = tpu.concatenate %concatenate3A_34, %get3A_32, %concatenate3A_36 in 1 : vector<512x256xf32>, vector<512x256xf32>, vector<512x256xf32> -> vector<512x768xf32>
    %concatenate3A_38 = tpu.concatenate %concatenate3A_7, %concatenate3A_17, %concatenate3A_27, %concatenate3A_37 in 0 : vector<512x768xf32>, vector<512x768xf32>, vector<512x768xf32>, vector<512x768xf32> -> vector<2048x768xf32>
    %convert_element_type3A = arith.truncf %concatenate3A_38 : vector<2048x768xf32> to vector<2048x768xbf16>
    %get3A_39 = arith.constant 0 : index
    %get3A_40 = arith.constant 0 : index
    %get3A_41 = vector.load %arg4[%get3A_39, %get3A_40] : memref<768x768xbf16, #tpu.memory_space<vmem>>, vector<768x768xbf16>
    %dot_general3A = arith.constant dense<0.000000e+00> : vector<2048x768xf32>
    %dot_general3A_42 = tpu.matmul %convert_element_type3A, %get3A_41, %dot_general3A {dimension_numbers = #tpu.dot_dimension_numbers<[1], [0], [0], [1], [0, 0, 1, 1], [], []>, transpose_lhs_hint = false} : vector<2048x768xbf16>, vector<768x768xbf16>, vector<2048x768xf32> -> vector<2048x768xf32>
    %get3A_43 = arith.constant 0 : index
    %get3A_44 = arith.constant 0 : index
    %get3A_45 = vector.load %arg5[%get3A_43, %get3A_44] : memref<1x768xf32, #tpu.memory_space<vmem>>, vector<1x768xf32>
    %add3A = vector.broadcast %get3A_45 : vector<1x768xf32> to vector<2048x768xf32>
    %add3A_46 = arith.addf %dot_general3A_42, %add3A : vector<2048x768xf32>
    %max3A = arith.constant 0.000000e+00 : f32
    %max3A_47 = vector.broadcast %max3A : f32 to vector<2048x768xf32>
    %max3A_48 = arith.maximumf %add3A_46, %max3A_47 : vector<2048x768xf32>
    %slice3A_49 = vector.extract_strided_slice %max3A_48 {offsets = [0, 0], sizes = [2048, 256], strides = [1, 1]} : vector<2048x768xf32> to vector<2048x256xf32>
    %reduce_sum3A = arith.constant dense<0.000000e+00> : vector<2048xf32>
    %reduce_sum3A_50 = vector.multi_reduction <add>, %slice3A_49, %reduce_sum3A [1] : vector<2048x256xf32> to vector<2048xf32>
    %broadcast_in_dim3A_51 = vector.shape_cast %reduce_sum3A_50 : vector<2048xf32> to vector<2048x1xf32>
    %div3A = arith.constant 2.560000e+02 : f32
    %div3A_52 = vector.broadcast %div3A : f32 to vector<2048x1xf32>
    %div3A_53 = arith.divf %broadcast_in_dim3A_51, %div3A_52 : vector<2048x1xf32>
    %mul3A = arith.mulf %slice3A_49, %slice3A_49 : vector<2048x256xf32>
    %reduce_sum3A_54 = arith.constant dense<0.000000e+00> : vector<2048xf32>
    %reduce_sum3A_55 = vector.multi_reduction <add>, %mul3A, %reduce_sum3A_54 [1] : vector<2048x256xf32> to vector<2048xf32>
    %broadcast_in_dim3A_56 = vector.shape_cast %reduce_sum3A_55 : vector<2048xf32> to vector<2048x1xf32>
    %div3A_57 = arith.constant 2.560000e+02 : f32
    %div3A_58 = vector.broadcast %div3A_57 : f32 to vector<2048x1xf32>
    %div3A_59 = arith.divf %broadcast_in_dim3A_56, %div3A_58 : vector<2048x1xf32>
    %mul3A_60 = arith.mulf %div3A_53, %div3A_53 : vector<2048x1xf32>
    %sub3A = arith.subf %div3A_59, %mul3A_60 : vector<2048x1xf32>
    %add3A_61 = arith.constant 9.99999974E-6 : f32
    %add3A_62 = vector.broadcast %add3A_61 : f32 to vector<2048x1xf32>
    %add3A_63 = arith.addf %sub3A, %add3A_62 : vector<2048x1xf32>
    %rsqrt3A = math.rsqrt %add3A_63 : vector<2048x1xf32>
    %sub3A_64 = vector.broadcast %div3A_53 : vector<2048x1xf32> to vector<2048x256xf32>
    %sub3A_65 = arith.subf %slice3A_49, %sub3A_64 : vector<2048x256xf32>
    %mul3A_66 = vector.broadcast %rsqrt3A : vector<2048x1xf32> to vector<2048x256xf32>
    %mul3A_67 = arith.mulf %sub3A_65, %mul3A_66 : vector<2048x256xf32>
    %get3A_68 = arith.constant 0 : index
    %get3A_69 = arith.constant 0 : index
    %get3A_70 = vector.load %arg6[%get3A_68, %get3A_69] : memref<3x256xf32, #tpu.memory_space<vmem>>, vector<1x256xf32>
    %get3A_71 = vector.shape_cast %get3A_70 : vector<1x256xf32> to vector<256xf32>
    %broadcast_in_dim3A_72 = vector.shape_cast %get3A_71 : vector<256xf32> to vector<1x256xf32>
    %add3A_73 = vector.broadcast %broadcast_in_dim3A_72 : vector<1x256xf32> to vector<2048x256xf32>
    %add3A_74 = arith.addf %mul3A_67, %add3A_73 : vector<2048x256xf32>
    %convert_element_type3A_75 = arith.truncf %add3A_74 : vector<2048x256xf32> to vector<2048x256xbf16>
    %broadcast_in_dim3A_76 = arith.constant 0.000000e+00 : bf16
    %broadcast_in_dim3A_77 = vector.broadcast %broadcast_in_dim3A_76 : bf16 to vector<1x256xbf16>
    %slice3A_78 = vector.extract_strided_slice %convert_element_type3A_75 {offsets = [0, 0], sizes = [512, 256], strides = [1, 1]} : vector<2048x256xbf16> to vector<512x256xbf16>
    %slice3A_79 = vector.extract_strided_slice %slice3A_78 {offsets = [0, 0], sizes = [511, 256], strides = [1, 1]} : vector<512x256xbf16> to vector<511x256xbf16>
    %concatenate3A_80 = tpu.concatenate %broadcast_in_dim3A_77, %slice3A_79 in 0 : vector<1x256xbf16>, vector<511x256xbf16> -> vector<512x256xbf16>
    %slice3A_81 = vector.extract_strided_slice %slice3A_78 {offsets = [1, 0], sizes = [511, 256], strides = [1, 1]} : vector<512x256xbf16> to vector<511x256xbf16>
    %concatenate3A_82 = tpu.concatenate %slice3A_81, %broadcast_in_dim3A_77 in 0 : vector<511x256xbf16>, vector<1x256xbf16> -> vector<512x256xbf16>
    %concatenate3A_83 = tpu.concatenate %concatenate3A_80, %slice3A_78, %concatenate3A_82 in 1 : vector<512x256xbf16>, vector<512x256xbf16>, vector<512x256xbf16> -> vector<512x768xbf16>
    %slice3A_84 = vector.extract_strided_slice %convert_element_type3A_75 {offsets = [512, 0], sizes = [512, 256], strides = [1, 1]} : vector<2048x256xbf16> to vector<512x256xbf16>
    %slice3A_85 = vector.extract_strided_slice %slice3A_84 {offsets = [0, 0], sizes = [511, 256], strides = [1, 1]} : vector<512x256xbf16> to vector<511x256xbf16>
    %concatenate3A_86 = tpu.concatenate %broadcast_in_dim3A_77, %slice3A_85 in 0 : vector<1x256xbf16>, vector<511x256xbf16> -> vector<512x256xbf16>
    %slice3A_87 = vector.extract_strided_slice %slice3A_84 {offsets = [1, 0], sizes = [511, 256], strides = [1, 1]} : vector<512x256xbf16> to vector<511x256xbf16>
    %concatenate3A_88 = tpu.concatenate %slice3A_87, %broadcast_in_dim3A_77 in 0 : vector<511x256xbf16>, vector<1x256xbf16> -> vector<512x256xbf16>
    %concatenate3A_89 = tpu.concatenate %concatenate3A_86, %slice3A_84, %concatenate3A_88 in 1 : vector<512x256xbf16>, vector<512x256xbf16>, vector<512x256xbf16> -> vector<512x768xbf16>
    %slice3A_90 = vector.extract_strided_slice %convert_element_type3A_75 {offsets = [1024, 0], sizes = [512, 256], strides = [1, 1]} : vector<2048x256xbf16> to vector<512x256xbf16>
    %slice3A_91 = vector.extract_strided_slice %slice3A_90 {offsets = [0, 0], sizes = [511, 256], strides = [1, 1]} : vector<512x256xbf16> to vector<511x256xbf16>
    %concatenate3A_92 = tpu.concatenate %broadcast_in_dim3A_77, %slice3A_91 in 0 : vector<1x256xbf16>, vector<511x256xbf16> -> vector<512x256xbf16>
    %slice3A_93 = vector.extract_strided_slice %slice3A_90 {offsets = [1, 0], sizes = [511, 256], strides = [1, 1]} : vector<512x256xbf16> to vector<511x256xbf16>
    %concatenate3A_94 = tpu.concatenate %slice3A_93, %broadcast_in_dim3A_77 in 0 : vector<511x256xbf16>, vector<1x256xbf16> -> vector<512x256xbf16>
    %concatenate3A_95 = tpu.concatenate %concatenate3A_92, %slice3A_90, %concatenate3A_94 in 1 : vector<512x256xbf16>, vector<512x256xbf16>, vector<512x256xbf16> -> vector<512x768xbf16>
    %slice3A_96 = vector.extract_strided_slice %convert_element_type3A_75 {offsets = [1536, 0], sizes = [512, 256], strides = [1, 1]} : vector<2048x256xbf16> to vector<512x256xbf16>
    %slice3A_97 = vector.extract_strided_slice %slice3A_96 {offsets = [0, 0], sizes = [511, 256], strides = [1, 1]} : vector<512x256xbf16> to vector<511x256xbf16>
    %concatenate3A_98 = tpu.concatenate %broadcast_in_dim3A_77, %slice3A_97 in 0 : vector<1x256xbf16>, vector<511x256xbf16> -> vector<512x256xbf16>
    %slice3A_99 = vector.extract_strided_slice %slice3A_96 {offsets = [1, 0], sizes = [511, 256], strides = [1, 1]} : vector<512x256xbf16> to vector<511x256xbf16>
    %concatenate3A_100 = tpu.concatenate %slice3A_99, %broadcast_in_dim3A_77 in 0 : vector<511x256xbf16>, vector<1x256xbf16> -> vector<512x256xbf16>
    %concatenate3A_101 = tpu.concatenate %concatenate3A_98, %slice3A_96, %concatenate3A_100 in 1 : vector<512x256xbf16>, vector<512x256xbf16>, vector<512x256xbf16> -> vector<512x768xbf16>
    %concatenate3A_102 = tpu.concatenate %concatenate3A_83, %concatenate3A_89, %concatenate3A_95, %concatenate3A_101 in 0 : vector<512x768xbf16>, vector<512x768xbf16>, vector<512x768xbf16>, vector<512x768xbf16> -> vector<2048x768xbf16>
    %get3A_103 = arith.constant 0 : index
    %get3A_104 = arith.constant 0 : index
    %get3A_105 = arith.constant 0 : index
    %get3A_106 = vector.load %arg7[%get3A_103, %get3A_104, %get3A_105] : memref<3x768x256xbf16, #tpu.memory_space<vmem>>, vector<1x768x256xbf16>
    %get3A_107 = vector.shape_cast %get3A_106 : vector<1x768x256xbf16> to vector<768x256xbf16>
    %dot_general3A_108 = arith.constant dense<0.000000e+00> : vector<2048x256xf32>
    %dot_general3A_109 = tpu.matmul %concatenate3A_102, %get3A_107, %dot_general3A_108 {dimension_numbers = #tpu.dot_dimension_numbers<[1], [0], [0], [1], [0, 0, 1, 1], [], []>, transpose_lhs_hint = false} : vector<2048x768xbf16>, vector<768x256xbf16>, vector<2048x256xf32> -> vector<2048x256xf32>
    %get3A_110 = arith.constant 0 : index
    %get3A_111 = arith.constant 0 : index
    %get3A_112 = vector.load %arg8[%get3A_110, %get3A_111] : memref<3x256xf32, #tpu.memory_space<vmem>>, vector<1x256xf32>
    %get3A_113 = vector.shape_cast %get3A_112 : vector<1x256xf32> to vector<256xf32>
    %broadcast_in_dim3A_114 = vector.shape_cast %get3A_113 : vector<256xf32> to vector<1x256xf32>
    %add3A_115 = vector.broadcast %broadcast_in_dim3A_114 : vector<1x256xf32> to vector<2048x256xf32>
    %add3A_116 = arith.addf %dot_general3A_109, %add3A_115 : vector<2048x256xf32>
    %max3A_117 = arith.constant 0.000000e+00 : f32
    %max3A_118 = vector.broadcast %max3A_117 : f32 to vector<2048x256xf32>
    %max3A_119 = arith.maximumf %add3A_116, %max3A_118 : vector<2048x256xf32>
    %reduce_sum3A_120 = arith.constant dense<0.000000e+00> : vector<2048xf32>
    %reduce_sum3A_121 = vector.multi_reduction <add>, %max3A_119, %reduce_sum3A_120 [1] : vector<2048x256xf32> to vector<2048xf32>
    %broadcast_in_dim3A_122 = vector.shape_cast %reduce_sum3A_121 : vector<2048xf32> to vector<2048x1xf32>
    %div3A_123 = arith.constant 2.560000e+02 : f32
    %div3A_124 = vector.broadcast %div3A_123 : f32 to vector<2048x1xf32>
    %div3A_125 = arith.divf %broadcast_in_dim3A_122, %div3A_124 : vector<2048x1xf32>
    %mul3A_126 = arith.mulf %max3A_119, %max3A_119 : vector<2048x256xf32>
    %reduce_sum3A_127 = arith.constant dense<0.000000e+00> : vector<2048xf32>
    %reduce_sum3A_128 = vector.multi_reduction <add>, %mul3A_126, %reduce_sum3A_127 [1] : vector<2048x256xf32> to vector<2048xf32>
    %broadcast_in_dim3A_129 = vector.shape_cast %reduce_sum3A_128 : vector<2048xf32> to vector<2048x1xf32>
    %div3A_130 = arith.constant 2.560000e+02 : f32
    %div3A_131 = vector.broadcast %div3A_130 : f32 to vector<2048x1xf32>
    %div3A_132 = arith.divf %broadcast_in_dim3A_129, %div3A_131 : vector<2048x1xf32>
    %mul3A_133 = arith.mulf %div3A_125, %div3A_125 : vector<2048x1xf32>
    %sub3A_134 = arith.subf %div3A_132, %mul3A_133 : vector<2048x1xf32>
    %add3A_135 = arith.constant 9.99999974E-6 : f32
    %add3A_136 = vector.broadcast %add3A_135 : f32 to vector<2048x1xf32>
    %add3A_137 = arith.addf %sub3A_134, %add3A_136 : vector<2048x1xf32>
    %rsqrt3A_138 = math.rsqrt %add3A_137 : vector<2048x1xf32>
    %sub3A_139 = vector.broadcast %div3A_125 : vector<2048x1xf32> to vector<2048x256xf32>
    %sub3A_140 = arith.subf %max3A_119, %sub3A_139 : vector<2048x256xf32>
    %mul3A_141 = vector.broadcast %rsqrt3A_138 : vector<2048x1xf32> to vector<2048x256xf32>
    %mul3A_142 = arith.mulf %sub3A_140, %mul3A_141 : vector<2048x256xf32>
    %get3A_143 = arith.constant 0 : index
    %get3A_144 = arith.constant 0 : index
    %get3A_145 = arith.constant 0 : index
    %get3A_146 = vector.load %arg9[%get3A_143, %get3A_144, %get3A_145] : memref<3x1x256xf32, #tpu.memory_space<vmem>>, vector<1x1x256xf32>
    %get3A_147 = vector.shape_cast %get3A_146 : vector<1x1x256xf32> to vector<1x256xf32>
    %dot_general3A_148 = arith.constant dense<0.000000e+00> : vector<1x2048xf32>
    %dot_general3A_149 = tpu.matmul %get3A_147, %mul3A_142, %dot_general3A_148 {dimension_numbers = #tpu.dot_dimension_numbers<[1], [1], [0], [0], [0, 0, 1, 0], [], []>, transpose_lhs_hint = false} : vector<1x256xf32>, vector<2048x256xf32>, vector<1x2048xf32> -> vector<1x2048xf32>
    %get3A_150 = arith.constant 0 : index
    %get3A_151 = arith.constant 0 : index
    %get3A_152 = memref.load %arg2[%get3A_150, %get3A_151] : memref<3x1xf32, #tpu.memory_space<smem>>
    %add3A_153 = vector.broadcast %get3A_152 : f32 to vector<1x2048xf32>
    %add3A_154 = arith.addf %dot_general3A_149, %add3A_153 : vector<1x2048xf32>
    %mul3A_155 = arith.constant 4 : i32
    %mul3A_156 = arith.muli %mul3A_155, %arg0 : i32
    %add3A_157 = arith.constant 0 : i32
    %add3A_158 = arith.addi %mul3A_156, %add3A_157 : i32
    %get3A_159 = arith.index_cast %add3A_158 : i32 to index
    %get3A_160 = memref.load %arg1[%get3A_159] : memref<16xi32, #tpu.memory_space<smem>>
    %iota3A = tpu.iota {dimensions = array<i32: 1>} : vector<1x512xi32>
    %ge3A = vector.broadcast %get3A_160 : i32 to vector<1x512xi32>
    %ge3A_161 = arith.cmpi sge, %iota3A, %ge3A : vector<1x512xi32>
    %slice3A_162 = vector.extract_strided_slice %add3A_154 {offsets = [0, 0], sizes = [1, 512], strides = [1, 1]} : vector<1x2048xf32> to vector<1x512xf32>
    %jit3A = arith.constant 0.000000e+00 : f32
    %broadcast_in_dim3A_163 = vector.broadcast %jit3A : f32 to vector<1x512xf32>
    %select_n3A = arith.select %ge3A_161, %broadcast_in_dim3A_163, %slice3A_162 : vector<1x512xi1>, vector<1x512xf32>
    %rem3A = arith.constant 2 : i32
    %rem3A_164 = arith.remsi %arg0, %rem3A : i32
    %mul3A_165 = arith.constant 4 : i32
    %mul3A_166 = arith.muli %mul3A_165, %rem3A_164 : i32
    %add3A_167 = arith.constant 0 : i32
    %add3A_168 = arith.addi %mul3A_166, %add3A_167 : i32
    %swap3A = arith.index_cast %add3A_168 : i32 to index
    %swap3A_169 = arith.constant 0 : index
    %swap3A_170 = vector.load %arg10[%swap3A, %swap3A_169] : memref<8x512xf32, #tpu.memory_space<vmem>>, vector<1x512xf32>
    tpu.vector_store %arg10[%swap3A, %swap3A_169], %select_n3A {strides = array<i32>} : memref<8x512xf32, #tpu.memory_space<vmem>>, vector<1x512xf32>,
    %mul3A_171 = arith.constant 4 : i32
    %mul3A_172 = arith.muli %mul3A_171, %arg0 : i32
    %add3A_173 = arith.constant 1 : i32
    %add3A_174 = arith.addi %mul3A_172, %add3A_173 : i32
    %get3A_175 = arith.index_cast %add3A_174 : i32 to index
    %get3A_176 = memref.load %arg1[%get3A_175] : memref<16xi32, #tpu.memory_space<smem>>
    %iota3A_177 = tpu.iota {dimensions = array<i32: 1>} : vector<1x512xi32>
    %ge3A_178 = vector.broadcast %get3A_176 : i32 to vector<1x512xi32>
    %ge3A_179 = arith.cmpi sge, %iota3A_177, %ge3A_178 : vector<1x512xi32>
    %slice3A_180 = vector.extract_strided_slice %add3A_154 {offsets = [0, 512], sizes = [1, 512], strides = [1, 1]} : vector<1x2048xf32> to vector<1x512xf32>
    %jit3A_181 = arith.constant 0.000000e+00 : f32
    %broadcast_in_dim3A_182 = vector.broadcast %jit3A_181 : f32 to vector<1x512xf32>
    %select_n3A_183 = arith.select %ge3A_179, %broadcast_in_dim3A_182, %slice3A_180 : vector<1x512xi1>, vector<1x512xf32>
    %rem3A_184 = arith.constant 2 : i32
    %rem3A_185 = arith.remsi %arg0, %rem3A_184 : i32
    %mul3A_186 = arith.constant 4 : i32
    %mul3A_187 = arith.muli %mul3A_186, %rem3A_185 : i32
    %add3A_188 = arith.constant 1 : i32
    %add3A_189 = arith.addi %mul3A_187, %add3A_188 : i32
    %swap3A_190 = arith.index_cast %add3A_189 : i32 to index
    %swap3A_191 = arith.constant 0 : index
    %swap3A_192 = vector.load %arg10[%swap3A_190, %swap3A_191] : memref<8x512xf32, #tpu.memory_space<vmem>>, vector<1x512xf32>
    tpu.vector_store %arg10[%swap3A_190, %swap3A_191], %select_n3A_183 {strides = array<i32>} : memref<8x512xf32, #tpu.memory_space<vmem>>, vector<1x512xf32>,
    %mul3A_193 = arith.constant 4 : i32
    %mul3A_194 = arith.muli %mul3A_193, %arg0 : i32
    %add3A_195 = arith.constant 2 : i32
    %add3A_196 = arith.addi %mul3A_194, %add3A_195 : i32
    %get3A_197 = arith.index_cast %add3A_196 : i32 to index
    %get3A_198 = memref.load %arg1[%get3A_197] : memref<16xi32, #tpu.memory_space<smem>>
    %iota3A_199 = tpu.iota {dimensions = array<i32: 1>} : vector<1x512xi32>
    %ge3A_200 = vector.broadcast %get3A_198 : i32 to vector<1x512xi32>
    %ge3A_201 = arith.cmpi sge, %iota3A_199, %ge3A_200 : vector<1x512xi32>
    %slice3A_202 = vector.extract_strided_slice %add3A_154 {offsets = [0, 1024], sizes = [1, 512], strides = [1, 1]} : vector<1x2048xf32> to vector<1x512xf32>
    %jit3A_203 = arith.constant 0.000000e+00 : f32
    %broadcast_in_dim3A_204 = vector.broadcast %jit3A_203 : f32 to vector<1x512xf32>
    %select_n3A_205 = arith.select %ge3A_201, %broadcast_in_dim3A_204, %slice3A_202 : vector<1x512xi1>, vector<1x512xf32>
    %rem3A_206 = arith.constant 2 : i32
    %rem3A_207 = arith.remsi %arg0, %rem3A_206 : i32
    %mul3A_208 = arith.constant 4 : i32
    %mul3A_209 = arith.muli %mul3A_208, %rem3A_207 : i32
    %add3A_210 = arith.constant 2 : i32
    %add3A_211 = arith.addi %mul3A_209, %add3A_210 : i32
    %swap3A_212 = arith.index_cast %add3A_211 : i32 to index
    %swap3A_213 = arith.constant 0 : index
    %swap3A_214 = vector.load %arg10[%swap3A_212, %swap3A_213] : memref<8x512xf32, #tpu.memory_space<vmem>>, vector<1x512xf32>
    tpu.vector_store %arg10[%swap3A_212, %swap3A_213], %select_n3A_205 {strides = array<i32>} : memref<8x512xf32, #tpu.memory_space<vmem>>, vector<1x512xf32>,
    %mul3A_215 = arith.constant 4 : i32
    %mul3A_216 = arith.muli %mul3A_215, %arg0 : i32
    %add3A_217 = arith.constant 3 : i32
    %add3A_218 = arith.addi %mul3A_216, %add3A_217 : i32
    %get3A_219 = arith.index_cast %add3A_218 : i32 to index
    %get3A_220 = memref.load %arg1[%get3A_219] : memref<16xi32, #tpu.memory_space<smem>>
    %iota3A_221 = tpu.iota {dimensions = array<i32: 1>} : vector<1x512xi32>
    %ge3A_222 = vector.broadcast %get3A_220 : i32 to vector<1x512xi32>
    %ge3A_223 = arith.cmpi sge, %iota3A_221, %ge3A_222 : vector<1x512xi32>
    %slice3A_224 = vector.extract_strided_slice %add3A_154 {offsets = [0, 1536], sizes = [1, 512], strides = [1, 1]} : vector<1x2048xf32> to vector<1x512xf32>
    %jit3A_225 = arith.constant 0.000000e+00 : f32
    %broadcast_in_dim3A_226 = vector.broadcast %jit3A_225 : f32 to vector<1x512xf32>
    %select_n3A_227 = arith.select %ge3A_223, %broadcast_in_dim3A_226, %slice3A_224 : vector<1x512xi1>, vector<1x512xf32>
    %rem3A_228 = arith.constant 2 : i32
    %rem3A_229 = arith.remsi %arg0, %rem3A_228 : i32
    %mul3A_230 = arith.constant 4 : i32
    %mul3A_231 = arith.muli %mul3A_230, %rem3A_229 : i32
    %add3A_232 = arith.constant 3 : i32
    %add3A_233 = arith.addi %mul3A_231, %add3A_232 : i32
    %swap3A_234 = arith.index_cast %add3A_233 : i32 to index
    %swap3A_235 = arith.constant 0 : index
    %swap3A_236 = vector.load %arg10[%swap3A_234, %swap3A_235] : memref<8x512xf32, #tpu.memory_space<vmem>>, vector<1x512xf32>
    tpu.vector_store %arg10[%swap3A_234, %swap3A_235], %select_n3A_227 {strides = array<i32>} : memref<8x512xf32, #tpu.memory_space<vmem>>, vector<1x512xf32>,
    %slice3A_237 = vector.extract_strided_slice %max3A_48 {offsets = [0, 256], sizes = [2048, 256], strides = [1, 1]} : vector<2048x768xf32> to vector<2048x256xf32>
    %reduce_sum3A_238 = arith.constant dense<0.000000e+00> : vector<2048xf32>
    %reduce_sum3A_239 = vector.multi_reduction <add>, %slice3A_237, %reduce_sum3A_238 [1] : vector<2048x256xf32> to vector<2048xf32>
    %broadcast_in_dim3A_240 = vector.shape_cast %reduce_sum3A_239 : vector<2048xf32> to vector<2048x1xf32>
    %div3A_241 = arith.constant 2.560000e+02 : f32
    %div3A_242 = vector.broadcast %div3A_241 : f32 to vector<2048x1xf32>
    %div3A_243 = arith.divf %broadcast_in_dim3A_240, %div3A_242 : vector<2048x1xf32>
    %mul3A_244 = arith.mulf %slice3A_237, %slice3A_237 : vector<2048x256xf32>
    %reduce_sum3A_245 = arith.constant dense<0.000000e+00> : vector<2048xf32>
    %reduce_sum3A_246 = vector.multi_reduction <add>, %mul3A_244, %reduce_sum3A_245 [1] : vector<2048x256xf32> to vector<2048xf32>
    %broadcast_in_dim3A_247 = vector.shape_cast %reduce_sum3A_246 : vector<2048xf32> to vector<2048x1xf32>
    %div3A_248 = arith.constant 2.560000e+02 : f32
    %div3A_249 = vector.broadcast %div3A_248 : f32 to vector<2048x1xf32>
    %div3A_250 = arith.divf %broadcast_in_dim3A_247, %div3A_249 : vector<2048x1xf32>
    %mul3A_251 = arith.mulf %div3A_243, %div3A_243 : vector<2048x1xf32>
    %sub3A_252 = arith.subf %div3A_250, %mul3A_251 : vector<2048x1xf32>
    %add3A_253 = arith.constant 9.99999974E-6 : f32
    %add3A_254 = vector.broadcast %add3A_253 : f32 to vector<2048x1xf32>
    %add3A_255 = arith.addf %sub3A_252, %add3A_254 : vector<2048x1xf32>
    %rsqrt3A_256 = math.rsqrt %add3A_255 : vector<2048x1xf32>
    %sub3A_257 = vector.broadcast %div3A_243 : vector<2048x1xf32> to vector<2048x256xf32>
    %sub3A_258 = arith.subf %slice3A_237, %sub3A_257 : vector<2048x256xf32>
    %mul3A_259 = vector.broadcast %rsqrt3A_256 : vector<2048x1xf32> to vector<2048x256xf32>
    %mul3A_260 = arith.mulf %sub3A_258, %mul3A_259 : vector<2048x256xf32>
    %get3A_261 = arith.constant 1 : index
    %get3A_262 = arith.constant 0 : index
    %get3A_263 = vector.load %arg6[%get3A_261, %get3A_262] : memref<3x256xf32, #tpu.memory_space<vmem>>, vector<1x256xf32>
    %get3A_264 = vector.shape_cast %get3A_263 : vector<1x256xf32> to vector<256xf32>
    %broadcast_in_dim3A_265 = vector.shape_cast %get3A_264 : vector<256xf32> to vector<1x256xf32>
    %add3A_266 = vector.broadcast %broadcast_in_dim3A_265 : vector<1x256xf32> to vector<2048x256xf32>
    %add3A_267 = arith.addf %mul3A_260, %add3A_266 : vector<2048x256xf32>
    %convert_element_type3A_268 = arith.truncf %add3A_267 : vector<2048x256xf32> to vector<2048x256xbf16>
    %broadcast_in_dim3A_269 = arith.constant 0.000000e+00 : bf16
    %broadcast_in_dim3A_270 = vector.broadcast %broadcast_in_dim3A_269 : bf16 to vector<1x256xbf16>
    %slice3A_271 = vector.extract_strided_slice %convert_element_type3A_268 {offsets = [0, 0], sizes = [512, 256], strides = [1, 1]} : vector<2048x256xbf16> to vector<512x256xbf16>
    %slice3A_272 = vector.extract_strided_slice %slice3A_271 {offsets = [0, 0], sizes = [511, 256], strides = [1, 1]} : vector<512x256xbf16> to vector<511x256xbf16>
    %concatenate3A_273 = tpu.concatenate %broadcast_in_dim3A_270, %slice3A_272 in 0 : vector<1x256xbf16>, vector<511x256xbf16> -> vector<512x256xbf16>
    %slice3A_274 = vector.extract_strided_slice %slice3A_271 {offsets = [1, 0], sizes = [511, 256], strides = [1, 1]} : vector<512x256xbf16> to vector<511x256xbf16>
    %concatenate3A_275 = tpu.concatenate %slice3A_274, %broadcast_in_dim3A_270 in 0 : vector<511x256xbf16>, vector<1x256xbf16> -> vector<512x256xbf16>
    %concatenate3A_276 = tpu.concatenate %concatenate3A_273, %slice3A_271, %concatenate3A_275 in 1 : vector<512x256xbf16>, vector<512x256xbf16>, vector<512x256xbf16> -> vector<512x768xbf16>
    %slice3A_277 = vector.extract_strided_slice %convert_element_type3A_268 {offsets = [512, 0], sizes = [512, 256], strides = [1, 1]} : vector<2048x256xbf16> to vector<512x256xbf16>
    %slice3A_278 = vector.extract_strided_slice %slice3A_277 {offsets = [0, 0], sizes = [511, 256], strides = [1, 1]} : vector<512x256xbf16> to vector<511x256xbf16>
    %concatenate3A_279 = tpu.concatenate %broadcast_in_dim3A_270, %slice3A_278 in 0 : vector<1x256xbf16>, vector<511x256xbf16> -> vector<512x256xbf16>
    %slice3A_280 = vector.extract_strided_slice %slice3A_277 {offsets = [1, 0], sizes = [511, 256], strides = [1, 1]} : vector<512x256xbf16> to vector<511x256xbf16>
    %concatenate3A_281 = tpu.concatenate %slice3A_280, %broadcast_in_dim3A_270 in 0 : vector<511x256xbf16>, vector<1x256xbf16> -> vector<512x256xbf16>
    %concatenate3A_282 = tpu.concatenate %concatenate3A_279, %slice3A_277, %concatenate3A_281 in 1 : vector<512x256xbf16>, vector<512x256xbf16>, vector<512x256xbf16> -> vector<512x768xbf16>
    %slice3A_283 = vector.extract_strided_slice %convert_element_type3A_268 {offsets = [1024, 0], sizes = [512, 256], strides = [1, 1]} : vector<2048x256xbf16> to vector<512x256xbf16>
    %slice3A_284 = vector.extract_strided_slice %slice3A_283 {offsets = [0, 0], sizes = [511, 256], strides = [1, 1]} : vector<512x256xbf16> to vector<511x256xbf16>
    %concatenate3A_285 = tpu.concatenate %broadcast_in_dim3A_270, %slice3A_284 in 0 : vector<1x256xbf16>, vector<511x256xbf16> -> vector<512x256xbf16>
    %slice3A_286 = vector.extract_strided_slice %slice3A_283 {offsets = [1, 0], sizes = [511, 256], strides = [1, 1]} : vector<512x256xbf16> to vector<511x256xbf16>
    %concatenate3A_287 = tpu.concatenate %slice3A_286, %broadcast_in_dim3A_270 in 0 : vector<511x256xbf16>, vector<1x256xbf16> -> vector<512x256xbf16>
    %concatenate3A_288 = tpu.concatenate %concatenate3A_285, %slice3A_283, %concatenate3A_287 in 1 : vector<512x256xbf16>, vector<512x256xbf16>, vector<512x256xbf16> -> vector<512x768xbf16>
    %slice3A_289 = vector.extract_strided_slice %convert_element_type3A_268 {offsets = [1536, 0], sizes = [512, 256], strides = [1, 1]} : vector<2048x256xbf16> to vector<512x256xbf16>
    %slice3A_290 = vector.extract_strided_slice %slice3A_289 {offsets = [0, 0], sizes = [511, 256], strides = [1, 1]} : vector<512x256xbf16> to vector<511x256xbf16>
    %concatenate3A_291 = tpu.concatenate %broadcast_in_dim3A_270, %slice3A_290 in 0 : vector<1x256xbf16>, vector<511x256xbf16> -> vector<512x256xbf16>
    %slice3A_292 = vector.extract_strided_slice %slice3A_289 {offsets = [1, 0], sizes = [511, 256], strides = [1, 1]} : vector<512x256xbf16> to vector<511x256xbf16>
    %concatenate3A_293 = tpu.concatenate %slice3A_292, %broadcast_in_dim3A_270 in 0 : vector<511x256xbf16>, vector<1x256xbf16> -> vector<512x256xbf16>
    %concatenate3A_294 = tpu.concatenate %concatenate3A_291, %slice3A_289, %concatenate3A_293 in 1 : vector<512x256xbf16>, vector<512x256xbf16>, vector<512x256xbf16> -> vector<512x768xbf16>
    %concatenate3A_295 = tpu.concatenate %concatenate3A_276, %concatenate3A_282, %concatenate3A_288, %concatenate3A_294 in 0 : vector<512x768xbf16>, vector<512x768xbf16>, vector<512x768xbf16>, vector<512x768xbf16> -> vector<2048x768xbf16>
    %get3A_296 = arith.constant 1 : index
    %get3A_297 = arith.constant 0 : index
    %get3A_298 = arith.constant 0 : index
    %get3A_299 = vector.load %arg7[%get3A_296, %get3A_297, %get3A_298] : memref<3x768x256xbf16, #tpu.memory_space<vmem>>, vector<1x768x256xbf16>
    %get3A_300 = vector.shape_cast %get3A_299 : vector<1x768x256xbf16> to vector<768x256xbf16>
    %dot_general3A_301 = arith.constant dense<0.000000e+00> : vector<2048x256xf32>
    %dot_general3A_302 = tpu.matmul %concatenate3A_295, %get3A_300, %dot_general3A_301 {dimension_numbers = #tpu.dot_dimension_numbers<[1], [0], [0], [1], [0, 0, 1, 1], [], []>, transpose_lhs_hint = false} : vector<2048x768xbf16>, vector<768x256xbf16>, vector<2048x256xf32> -> vector<2048x256xf32>
    %get3A_303 = arith.constant 1 : index
    %get3A_304 = arith.constant 0 : index
    %get3A_305 = vector.load %arg8[%get3A_303, %get3A_304] : memref<3x256xf32, #tpu.memory_space<vmem>>, vector<1x256xf32>
    %get3A_306 = vector.shape_cast %get3A_305 : vector<1x256xf32> to vector<256xf32>
    %broadcast_in_dim3A_307 = vector.shape_cast %get3A_306 : vector<256xf32> to vector<1x256xf32>
    %add3A_308 = vector.broadcast %broadcast_in_dim3A_307 : vector<1x256xf32> to vector<2048x256xf32>
    %add3A_309 = arith.addf %dot_general3A_302, %add3A_308 : vector<2048x256xf32>
    %max3A_310 = arith.constant 0.000000e+00 : f32
    %max3A_311 = vector.broadcast %max3A_310 : f32 to vector<2048x256xf32>
    %max3A_312 = arith.maximumf %add3A_309, %max3A_311 : vector<2048x256xf32>
    %reduce_sum3A_313 = arith.constant dense<0.000000e+00> : vector<2048xf32>
    %reduce_sum3A_314 = vector.multi_reduction <add>, %max3A_312, %reduce_sum3A_313 [1] : vector<2048x256xf32> to vector<2048xf32>
    %broadcast_in_dim3A_315 = vector.shape_cast %reduce_sum3A_314 : vector<2048xf32> to vector<2048x1xf32>
    %div3A_316 = arith.constant 2.560000e+02 : f32
    %div3A_317 = vector.broadcast %div3A_316 : f32 to vector<2048x1xf32>
    %div3A_318 = arith.divf %broadcast_in_dim3A_315, %div3A_317 : vector<2048x1xf32>
    %mul3A_319 = arith.mulf %max3A_312, %max3A_312 : vector<2048x256xf32>
    %reduce_sum3A_320 = arith.constant dense<0.000000e+00> : vector<2048xf32>
    %reduce_sum3A_321 = vector.multi_reduction <add>, %mul3A_319, %reduce_sum3A_320 [1] : vector<2048x256xf32> to vector<2048xf32>
    %broadcast_in_dim3A_322 = vector.shape_cast %reduce_sum3A_321 : vector<2048xf32> to vector<2048x1xf32>
    %div3A_323 = arith.constant 2.560000e+02 : f32
    %div3A_324 = vector.broadcast %div3A_323 : f32 to vector<2048x1xf32>
    %div3A_325 = arith.divf %broadcast_in_dim3A_322, %div3A_324 : vector<2048x1xf32>
    %mul3A_326 = arith.mulf %div3A_318, %div3A_318 : vector<2048x1xf32>
    %sub3A_327 = arith.subf %div3A_325, %mul3A_326 : vector<2048x1xf32>
    %add3A_328 = arith.constant 9.99999974E-6 : f32
    %add3A_329 = vector.broadcast %add3A_328 : f32 to vector<2048x1xf32>
    %add3A_330 = arith.addf %sub3A_327, %add3A_329 : vector<2048x1xf32>
    %rsqrt3A_331 = math.rsqrt %add3A_330 : vector<2048x1xf32>
    %sub3A_332 = vector.broadcast %div3A_318 : vector<2048x1xf32> to vector<2048x256xf32>
    %sub3A_333 = arith.subf %max3A_312, %sub3A_332 : vector<2048x256xf32>
    %mul3A_334 = vector.broadcast %rsqrt3A_331 : vector<2048x1xf32> to vector<2048x256xf32>
    %mul3A_335 = arith.mulf %sub3A_333, %mul3A_334 : vector<2048x256xf32>
    %get3A_336 = arith.constant 1 : index
    %get3A_337 = arith.constant 0 : index
    %get3A_338 = arith.constant 0 : index
    %get3A_339 = vector.load %arg9[%get3A_336, %get3A_337, %get3A_338] : memref<3x1x256xf32, #tpu.memory_space<vmem>>, vector<1x1x256xf32>
    %get3A_340 = vector.shape_cast %get3A_339 : vector<1x1x256xf32> to vector<1x256xf32>
    %dot_general3A_341 = arith.constant dense<0.000000e+00> : vector<1x2048xf32>
    %dot_general3A_342 = tpu.matmul %get3A_340, %mul3A_335, %dot_general3A_341 {dimension_numbers = #tpu.dot_dimension_numbers<[1], [1], [0], [0], [0, 0, 1, 0], [], []>, transpose_lhs_hint = false} : vector<1x256xf32>, vector<2048x256xf32>, vector<1x2048xf32> -> vector<1x2048xf32>
    %get3A_343 = arith.constant 1 : index
    %get3A_344 = arith.constant 0 : index
    %get3A_345 = memref.load %arg2[%get3A_343, %get3A_344] : memref<3x1xf32, #tpu.memory_space<smem>>
    %add3A_346 = vector.broadcast %get3A_345 : f32 to vector<1x2048xf32>
    %add3A_347 = arith.addf %dot_general3A_342, %add3A_346 : vector<1x2048xf32>
    %mul3A_348 = arith.constant 4 : i32
    %mul3A_349 = arith.muli %mul3A_348, %arg0 : i32
    %add3A_350 = arith.constant 0 : i32
    %add3A_351 = arith.addi %mul3A_349, %add3A_350 : i32
    %get3A_352 = arith.index_cast %add3A_351 : i32 to index
    %get3A_353 = memref.load %arg1[%get3A_352] : memref<16xi32, #tpu.memory_space<smem>>
    %iota3A_354 = tpu.iota {dimensions = array<i32: 1>} : vector<1x512xi32>
    %ge3A_355 = vector.broadcast %get3A_353 : i32 to vector<1x512xi32>
    %ge3A_356 = arith.cmpi sge, %iota3A_354, %ge3A_355 : vector<1x512xi32>
    %slice3A_357 = vector.extract_strided_slice %add3A_347 {offsets = [0, 0], sizes = [1, 512], strides = [1, 1]} : vector<1x2048xf32> to vector<1x512xf32>
    %jit3A_358 = arith.constant 0.000000e+00 : f32
    %broadcast_in_dim3A_359 = vector.broadcast %jit3A_358 : f32 to vector<1x512xf32>
    %select_n3A_360 = arith.select %ge3A_356, %broadcast_in_dim3A_359, %slice3A_357 : vector<1x512xi1>, vector<1x512xf32>
    %rem3A_361 = arith.constant 2 : i32
    %rem3A_362 = arith.remsi %arg0, %rem3A_361 : i32
    %mul3A_363 = arith.constant 4 : i32
    %mul3A_364 = arith.muli %mul3A_363, %rem3A_362 : i32
    %add3A_365 = arith.constant 0 : i32
    %add3A_366 = arith.addi %mul3A_364, %add3A_365 : i32
    %swap3A_367 = arith.index_cast %add3A_366 : i32 to index
    %swap3A_368 = arith.constant 0 : index
    %swap3A_369 = vector.load %arg11[%swap3A_367, %swap3A_368] : memref<8x512xf32, #tpu.memory_space<vmem>>, vector<1x512xf32>
    tpu.vector_store %arg11[%swap3A_367, %swap3A_368], %select_n3A_360 {strides = array<i32>} : memref<8x512xf32, #tpu.memory_space<vmem>>, vector<1x512xf32>,
    %mul3A_370 = arith.constant 4 : i32
    %mul3A_371 = arith.muli %mul3A_370, %arg0 : i32
    %add3A_372 = arith.constant 1 : i32
    %add3A_373 = arith.addi %mul3A_371, %add3A_372 : i32
    %get3A_374 = arith.index_cast %add3A_373 : i32 to index
    %get3A_375 = memref.load %arg1[%get3A_374] : memref<16xi32, #tpu.memory_space<smem>>
    %iota3A_376 = tpu.iota {dimensions = array<i32: 1>} : vector<1x512xi32>
    %ge3A_377 = vector.broadcast %get3A_375 : i32 to vector<1x512xi32>
    %ge3A_378 = arith.cmpi sge, %iota3A_376, %ge3A_377 : vector<1x512xi32>
    %slice3A_379 = vector.extract_strided_slice %add3A_347 {offsets = [0, 512], sizes = [1, 512], strides = [1, 1]} : vector<1x2048xf32> to vector<1x512xf32>
    %jit3A_380 = arith.constant 0.000000e+00 : f32
    %broadcast_in_dim3A_381 = vector.broadcast %jit3A_380 : f32 to vector<1x512xf32>
    %select_n3A_382 = arith.select %ge3A_378, %broadcast_in_dim3A_381, %slice3A_379 : vector<1x512xi1>, vector<1x512xf32>
    %rem3A_383 = arith.constant 2 : i32
    %rem3A_384 = arith.remsi %arg0, %rem3A_383 : i32
    %mul3A_385 = arith.constant 4 : i32
    %mul3A_386 = arith.muli %mul3A_385, %rem3A_384 : i32
    %add3A_387 = arith.constant 1 : i32
    %add3A_388 = arith.addi %mul3A_386, %add3A_387 : i32
    %swap3A_389 = arith.index_cast %add3A_388 : i32 to index
    %swap3A_390 = arith.constant 0 : index
    %swap3A_391 = vector.load %arg11[%swap3A_389, %swap3A_390] : memref<8x512xf32, #tpu.memory_space<vmem>>, vector<1x512xf32>
    tpu.vector_store %arg11[%swap3A_389, %swap3A_390], %select_n3A_382 {strides = array<i32>} : memref<8x512xf32, #tpu.memory_space<vmem>>, vector<1x512xf32>,
    %mul3A_392 = arith.constant 4 : i32
    %mul3A_393 = arith.muli %mul3A_392, %arg0 : i32
    %add3A_394 = arith.constant 2 : i32
    %add3A_395 = arith.addi %mul3A_393, %add3A_394 : i32
    %get3A_396 = arith.index_cast %add3A_395 : i32 to index
    %get3A_397 = memref.load %arg1[%get3A_396] : memref<16xi32, #tpu.memory_space<smem>>
    %iota3A_398 = tpu.iota {dimensions = array<i32: 1>} : vector<1x512xi32>
    %ge3A_399 = vector.broadcast %get3A_397 : i32 to vector<1x512xi32>
    %ge3A_400 = arith.cmpi sge, %iota3A_398, %ge3A_399 : vector<1x512xi32>
    %slice3A_401 = vector.extract_strided_slice %add3A_347 {offsets = [0, 1024], sizes = [1, 512], strides = [1, 1]} : vector<1x2048xf32> to vector<1x512xf32>
    %jit3A_402 = arith.constant 0.000000e+00 : f32
    %broadcast_in_dim3A_403 = vector.broadcast %jit3A_402 : f32 to vector<1x512xf32>
    %select_n3A_404 = arith.select %ge3A_400, %broadcast_in_dim3A_403, %slice3A_401 : vector<1x512xi1>, vector<1x512xf32>
    %rem3A_405 = arith.constant 2 : i32
    %rem3A_406 = arith.remsi %arg0, %rem3A_405 : i32
    %mul3A_407 = arith.constant 4 : i32
    %mul3A_408 = arith.muli %mul3A_407, %rem3A_406 : i32
    %add3A_409 = arith.constant 2 : i32
    %add3A_410 = arith.addi %mul3A_408, %add3A_409 : i32
    %swap3A_411 = arith.index_cast %add3A_410 : i32 to index
    %swap3A_412 = arith.constant 0 : index
    %swap3A_413 = vector.load %arg11[%swap3A_411, %swap3A_412] : memref<8x512xf32, #tpu.memory_space<vmem>>, vector<1x512xf32>
    tpu.vector_store %arg11[%swap3A_411, %swap3A_412], %select_n3A_404 {strides = array<i32>} : memref<8x512xf32, #tpu.memory_space<vmem>>, vector<1x512xf32>,
    %mul3A_414 = arith.constant 4 : i32
    %mul3A_415 = arith.muli %mul3A_414, %arg0 : i32
    %add3A_416 = arith.constant 3 : i32
    %add3A_417 = arith.addi %mul3A_415, %add3A_416 : i32
    %get3A_418 = arith.index_cast %add3A_417 : i32 to index
    %get3A_419 = memref.load %arg1[%get3A_418] : memref<16xi32, #tpu.memory_space<smem>>
    %iota3A_420 = tpu.iota {dimensions = array<i32: 1>} : vector<1x512xi32>
    %ge3A_421 = vector.broadcast %get3A_419 : i32 to vector<1x512xi32>
    %ge3A_422 = arith.cmpi sge, %iota3A_420, %ge3A_421 : vector<1x512xi32>
    %slice3A_423 = vector.extract_strided_slice %add3A_347 {offsets = [0, 1536], sizes = [1, 512], strides = [1, 1]} : vector<1x2048xf32> to vector<1x512xf32>
    %jit3A_424 = arith.constant 0.000000e+00 : f32
    %broadcast_in_dim3A_425 = vector.broadcast %jit3A_424 : f32 to vector<1x512xf32>
    %select_n3A_426 = arith.select %ge3A_422, %broadcast_in_dim3A_425, %slice3A_423 : vector<1x512xi1>, vector<1x512xf32>
    %rem3A_427 = arith.constant 2 : i32
    %rem3A_428 = arith.remsi %arg0, %rem3A_427 : i32
    %mul3A_429 = arith.constant 4 : i32
    %mul3A_430 = arith.muli %mul3A_429, %rem3A_428 : i32
    %add3A_431 = arith.constant 3 : i32
    %add3A_432 = arith.addi %mul3A_430, %add3A_431 : i32
    %swap3A_433 = arith.index_cast %add3A_432 : i32 to index
    %swap3A_434 = arith.constant 0 : index
    %swap3A_435 = vector.load %arg11[%swap3A_433, %swap3A_434] : memref<8x512xf32, #tpu.memory_space<vmem>>, vector<1x512xf32>
    tpu.vector_store %arg11[%swap3A_433, %swap3A_434], %select_n3A_426 {strides = array<i32>} : memref<8x512xf32, #tpu.memory_space<vmem>>, vector<1x512xf32>,
    %slice3A_436 = vector.extract_strided_slice %max3A_48 {offsets = [0, 512], sizes = [2048, 256], strides = [1, 1]} : vector<2048x768xf32> to vector<2048x256xf32>
    %reduce_sum3A_437 = arith.constant dense<0.000000e+00> : vector<2048xf32>
    %reduce_sum3A_438 = vector.multi_reduction <add>, %slice3A_436, %reduce_sum3A_437 [1] : vector<2048x256xf32> to vector<2048xf32>
    %broadcast_in_dim3A_439 = vector.shape_cast %reduce_sum3A_438 : vector<2048xf32> to vector<2048x1xf32>
    %div3A_440 = arith.constant 2.560000e+02 : f32
    %div3A_441 = vector.broadcast %div3A_440 : f32 to vector<2048x1xf32>
    %div3A_442 = arith.divf %broadcast_in_dim3A_439, %div3A_441 : vector<2048x1xf32>
    %mul3A_443 = arith.mulf %slice3A_436, %slice3A_436 : vector<2048x256xf32>
    %reduce_sum3A_444 = arith.constant dense<0.000000e+00> : vector<2048xf32>
    %reduce_sum3A_445 = vector.multi_reduction <add>, %mul3A_443, %reduce_sum3A_444 [1] : vector<2048x256xf32> to vector<2048xf32>
    %broadcast_in_dim3A_446 = vector.shape_cast %reduce_sum3A_445 : vector<2048xf32> to vector<2048x1xf32>
    %div3A_447 = arith.constant 2.560000e+02 : f32
    %div3A_448 = vector.broadcast %div3A_447 : f32 to vector<2048x1xf32>
    %div3A_449 = arith.divf %broadcast_in_dim3A_446, %div3A_448 : vector<2048x1xf32>
    %mul3A_450 = arith.mulf %div3A_442, %div3A_442 : vector<2048x1xf32>
    %sub3A_451 = arith.subf %div3A_449, %mul3A_450 : vector<2048x1xf32>
    %add3A_452 = arith.constant 9.99999974E-6 : f32
    %add3A_453 = vector.broadcast %add3A_452 : f32 to vector<2048x1xf32>
    %add3A_454 = arith.addf %sub3A_451, %add3A_453 : vector<2048x1xf32>
    %rsqrt3A_455 = math.rsqrt %add3A_454 : vector<2048x1xf32>
    %sub3A_456 = vector.broadcast %div3A_442 : vector<2048x1xf32> to vector<2048x256xf32>
    %sub3A_457 = arith.subf %slice3A_436, %sub3A_456 : vector<2048x256xf32>
    %mul3A_458 = vector.broadcast %rsqrt3A_455 : vector<2048x1xf32> to vector<2048x256xf32>
    %mul3A_459 = arith.mulf %sub3A_457, %mul3A_458 : vector<2048x256xf32>
    %get3A_460 = arith.constant 2 : index
    %get3A_461 = arith.constant 0 : index
    %get3A_462 = vector.load %arg6[%get3A_460, %get3A_461] : memref<3x256xf32, #tpu.memory_space<vmem>>, vector<1x256xf32>
    %get3A_463 = vector.shape_cast %get3A_462 : vector<1x256xf32> to vector<256xf32>
    %broadcast_in_dim3A_464 = vector.shape_cast %get3A_463 : vector<256xf32> to vector<1x256xf32>
    %add3A_465 = vector.broadcast %broadcast_in_dim3A_464 : vector<1x256xf32> to vector<2048x256xf32>
    %add3A_466 = arith.addf %mul3A_459, %add3A_465 : vector<2048x256xf32>
    %convert_element_type3A_467 = arith.truncf %add3A_466 : vector<2048x256xf32> to vector<2048x256xbf16>
    %broadcast_in_dim3A_468 = arith.constant 0.000000e+00 : bf16
    %broadcast_in_dim3A_469 = vector.broadcast %broadcast_in_dim3A_468 : bf16 to vector<1x256xbf16>
    %slice3A_470 = vector.extract_strided_slice %convert_element_type3A_467 {offsets = [0, 0], sizes = [512, 256], strides = [1, 1]} : vector<2048x256xbf16> to vector<512x256xbf16>
    %slice3A_471 = vector.extract_strided_slice %slice3A_470 {offsets = [0, 0], sizes = [511, 256], strides = [1, 1]} : vector<512x256xbf16> to vector<511x256xbf16>
    %concatenate3A_472 = tpu.concatenate %broadcast_in_dim3A_469, %slice3A_471 in 0 : vector<1x256xbf16>, vector<511x256xbf16> -> vector<512x256xbf16>
    %slice3A_473 = vector.extract_strided_slice %slice3A_470 {offsets = [1, 0], sizes = [511, 256], strides = [1, 1]} : vector<512x256xbf16> to vector<511x256xbf16>
    %concatenate3A_474 = tpu.concatenate %slice3A_473, %broadcast_in_dim3A_469 in 0 : vector<511x256xbf16>, vector<1x256xbf16> -> vector<512x256xbf16>
    %concatenate3A_475 = tpu.concatenate %concatenate3A_472, %slice3A_470, %concatenate3A_474 in 1 : vector<512x256xbf16>, vector<512x256xbf16>, vector<512x256xbf16> -> vector<512x768xbf16>
    %slice3A_476 = vector.extract_strided_slice %convert_element_type3A_467 {offsets = [512, 0], sizes = [512, 256], strides = [1, 1]} : vector<2048x256xbf16> to vector<512x256xbf16>
    %slice3A_477 = vector.extract_strided_slice %slice3A_476 {offsets = [0, 0], sizes = [511, 256], strides = [1, 1]} : vector<512x256xbf16> to vector<511x256xbf16>
    %concatenate3A_478 = tpu.concatenate %broadcast_in_dim3A_469, %slice3A_477 in 0 : vector<1x256xbf16>, vector<511x256xbf16> -> vector<512x256xbf16>
    %slice3A_479 = vector.extract_strided_slice %slice3A_476 {offsets = [1, 0], sizes = [511, 256], strides = [1, 1]} : vector<512x256xbf16> to vector<511x256xbf16>
    %concatenate3A_480 = tpu.concatenate %slice3A_479, %broadcast_in_dim3A_469 in 0 : vector<511x256xbf16>, vector<1x256xbf16> -> vector<512x256xbf16>
    %concatenate3A_481 = tpu.concatenate %concatenate3A_478, %slice3A_476, %concatenate3A_480 in 1 : vector<512x256xbf16>, vector<512x256xbf16>, vector<512x256xbf16> -> vector<512x768xbf16>
    %slice3A_482 = vector.extract_strided_slice %convert_element_type3A_467 {offsets = [1024, 0], sizes = [512, 256], strides = [1, 1]} : vector<2048x256xbf16> to vector<512x256xbf16>
    %slice3A_483 = vector.extract_strided_slice %slice3A_482 {offsets = [0, 0], sizes = [511, 256], strides = [1, 1]} : vector<512x256xbf16> to vector<511x256xbf16>
    %concatenate3A_484 = tpu.concatenate %broadcast_in_dim3A_469, %slice3A_483 in 0 : vector<1x256xbf16>, vector<511x256xbf16> -> vector<512x256xbf16>
    %slice3A_485 = vector.extract_strided_slice %slice3A_482 {offsets = [1, 0], sizes = [511, 256], strides = [1, 1]} : vector<512x256xbf16> to vector<511x256xbf16>
    %concatenate3A_486 = tpu.concatenate %slice3A_485, %broadcast_in_dim3A_469 in 0 : vector<511x256xbf16>, vector<1x256xbf16> -> vector<512x256xbf16>
    %concatenate3A_487 = tpu.concatenate %concatenate3A_484, %slice3A_482, %concatenate3A_486 in 1 : vector<512x256xbf16>, vector<512x256xbf16>, vector<512x256xbf16> -> vector<512x768xbf16>
    %slice3A_488 = vector.extract_strided_slice %convert_element_type3A_467 {offsets = [1536, 0], sizes = [512, 256], strides = [1, 1]} : vector<2048x256xbf16> to vector<512x256xbf16>
    %slice3A_489 = vector.extract_strided_slice %slice3A_488 {offsets = [0, 0], sizes = [511, 256], strides = [1, 1]} : vector<512x256xbf16> to vector<511x256xbf16>
    %concatenate3A_490 = tpu.concatenate %broadcast_in_dim3A_469, %slice3A_489 in 0 : vector<1x256xbf16>, vector<511x256xbf16> -> vector<512x256xbf16>
    %slice3A_491 = vector.extract_strided_slice %slice3A_488 {offsets = [1, 0], sizes = [511, 256], strides = [1, 1]} : vector<512x256xbf16> to vector<511x256xbf16>
    %concatenate3A_492 = tpu.concatenate %slice3A_491, %broadcast_in_dim3A_469 in 0 : vector<511x256xbf16>, vector<1x256xbf16> -> vector<512x256xbf16>
    %concatenate3A_493 = tpu.concatenate %concatenate3A_490, %slice3A_488, %concatenate3A_492 in 1 : vector<512x256xbf16>, vector<512x256xbf16>, vector<512x256xbf16> -> vector<512x768xbf16>
    %concatenate3A_494 = tpu.concatenate %concatenate3A_475, %concatenate3A_481, %concatenate3A_487, %concatenate3A_493 in 0 : vector<512x768xbf16>, vector<512x768xbf16>, vector<512x768xbf16>, vector<512x768xbf16> -> vector<2048x768xbf16>
    %get3A_495 = arith.constant 2 : index
    %get3A_496 = arith.constant 0 : index
    %get3A_497 = arith.constant 0 : index
    %get3A_498 = vector.load %arg7[%get3A_495, %get3A_496, %get3A_497] : memref<3x768x256xbf16, #tpu.memory_space<vmem>>, vector<1x768x256xbf16>
    %get3A_499 = vector.shape_cast %get3A_498 : vector<1x768x256xbf16> to vector<768x256xbf16>
    %dot_general3A_500 = arith.constant dense<0.000000e+00> : vector<2048x256xf32>
    %dot_general3A_501 = tpu.matmul %concatenate3A_494, %get3A_499, %dot_general3A_500 {dimension_numbers = #tpu.dot_dimension_numbers<[1], [0], [0], [1], [0, 0, 1, 1], [], []>, transpose_lhs_hint = false} : vector<2048x768xbf16>, vector<768x256xbf16>, vector<2048x256xf32> -> vector<2048x256xf32>
    %get3A_502 = arith.constant 2 : index
    %get3A_503 = arith.constant 0 : index
    %get3A_504 = vector.load %arg8[%get3A_502, %get3A_503] : memref<3x256xf32, #tpu.memory_space<vmem>>, vector<1x256xf32>
    %get3A_505 = vector.shape_cast %get3A_504 : vector<1x256xf32> to vector<256xf32>
    %broadcast_in_dim3A_506 = vector.shape_cast %get3A_505 : vector<256xf32> to vector<1x256xf32>
    %add3A_507 = vector.broadcast %broadcast_in_dim3A_506 : vector<1x256xf32> to vector<2048x256xf32>
    %add3A_508 = arith.addf %dot_general3A_501, %add3A_507 : vector<2048x256xf32>
    %max3A_509 = arith.constant 0.000000e+00 : f32
    %max3A_510 = vector.broadcast %max3A_509 : f32 to vector<2048x256xf32>
    %max3A_511 = arith.maximumf %add3A_508, %max3A_510 : vector<2048x256xf32>
    %reduce_sum3A_512 = arith.constant dense<0.000000e+00> : vector<2048xf32>
    %reduce_sum3A_513 = vector.multi_reduction <add>, %max3A_511, %reduce_sum3A_512 [1] : vector<2048x256xf32> to vector<2048xf32>
    %broadcast_in_dim3A_514 = vector.shape_cast %reduce_sum3A_513 : vector<2048xf32> to vector<2048x1xf32>
    %div3A_515 = arith.constant 2.560000e+02 : f32
    %div3A_516 = vector.broadcast %div3A_515 : f32 to vector<2048x1xf32>
    %div3A_517 = arith.divf %broadcast_in_dim3A_514, %div3A_516 : vector<2048x1xf32>
    %mul3A_518 = arith.mulf %max3A_511, %max3A_511 : vector<2048x256xf32>
    %reduce_sum3A_519 = arith.constant dense<0.000000e+00> : vector<2048xf32>
    %reduce_sum3A_520 = vector.multi_reduction <add>, %mul3A_518, %reduce_sum3A_519 [1] : vector<2048x256xf32> to vector<2048xf32>
    %broadcast_in_dim3A_521 = vector.shape_cast %reduce_sum3A_520 : vector<2048xf32> to vector<2048x1xf32>
    %div3A_522 = arith.constant 2.560000e+02 : f32
    %div3A_523 = vector.broadcast %div3A_522 : f32 to vector<2048x1xf32>
    %div3A_524 = arith.divf %broadcast_in_dim3A_521, %div3A_523 : vector<2048x1xf32>
    %mul3A_525 = arith.mulf %div3A_517, %div3A_517 : vector<2048x1xf32>
    %sub3A_526 = arith.subf %div3A_524, %mul3A_525 : vector<2048x1xf32>
    %add3A_527 = arith.constant 9.99999974E-6 : f32
    %add3A_528 = vector.broadcast %add3A_527 : f32 to vector<2048x1xf32>
    %add3A_529 = arith.addf %sub3A_526, %add3A_528 : vector<2048x1xf32>
    %rsqrt3A_530 = math.rsqrt %add3A_529 : vector<2048x1xf32>
    %sub3A_531 = vector.broadcast %div3A_517 : vector<2048x1xf32> to vector<2048x256xf32>
    %sub3A_532 = arith.subf %max3A_511, %sub3A_531 : vector<2048x256xf32>
    %mul3A_533 = vector.broadcast %rsqrt3A_530 : vector<2048x1xf32> to vector<2048x256xf32>
    %mul3A_534 = arith.mulf %sub3A_532, %mul3A_533 : vector<2048x256xf32>
    %get3A_535 = arith.constant 2 : index
    %get3A_536 = arith.constant 0 : index
    %get3A_537 = arith.constant 0 : index
    %get3A_538 = vector.load %arg9[%get3A_535, %get3A_536, %get3A_537] : memref<3x1x256xf32, #tpu.memory_space<vmem>>, vector<1x1x256xf32>
    %get3A_539 = vector.shape_cast %get3A_538 : vector<1x1x256xf32> to vector<1x256xf32>
    %dot_general3A_540 = arith.constant dense<0.000000e+00> : vector<1x2048xf32>
    %dot_general3A_541 = tpu.matmul %get3A_539, %mul3A_534, %dot_general3A_540 {dimension_numbers = #tpu.dot_dimension_numbers<[1], [1], [0], [0], [0, 0, 1, 0], [], []>, transpose_lhs_hint = false} : vector<1x256xf32>, vector<2048x256xf32>, vector<1x2048xf32> -> vector<1x2048xf32>
    %get3A_542 = arith.constant 2 : index
    %get3A_543 = arith.constant 0 : index
    %get3A_544 = memref.load %arg2[%get3A_542, %get3A_543] : memref<3x1xf32, #tpu.memory_space<smem>>
    %add3A_545 = vector.broadcast %get3A_544 : f32 to vector<1x2048xf32>
    %add3A_546 = arith.addf %dot_general3A_541, %add3A_545 : vector<1x2048xf32>
    %mul3A_547 = arith.constant 4 : i32
    %mul3A_548 = arith.muli %mul3A_547, %arg0 : i32
    %add3A_549 = arith.constant 0 : i32
    %add3A_550 = arith.addi %mul3A_548, %add3A_549 : i32
    %get3A_551 = arith.index_cast %add3A_550 : i32 to index
    %get3A_552 = memref.load %arg1[%get3A_551] : memref<16xi32, #tpu.memory_space<smem>>
    %iota3A_553 = tpu.iota {dimensions = array<i32: 1>} : vector<1x512xi32>
    %ge3A_554 = vector.broadcast %get3A_552 : i32 to vector<1x512xi32>
    %ge3A_555 = arith.cmpi sge, %iota3A_553, %ge3A_554 : vector<1x512xi32>
    %slice3A_556 = vector.extract_strided_slice %add3A_546 {offsets = [0, 0], sizes = [1, 512], strides = [1, 1]} : vector<1x2048xf32> to vector<1x512xf32>
    %jit3A_557 = arith.constant 0.000000e+00 : f32
    %broadcast_in_dim3A_558 = vector.broadcast %jit3A_557 : f32 to vector<1x512xf32>
    %select_n3A_559 = arith.select %ge3A_555, %broadcast_in_dim3A_558, %slice3A_556 : vector<1x512xi1>, vector<1x512xf32>
    %rem3A_560 = arith.constant 2 : i32
    %rem3A_561 = arith.remsi %arg0, %rem3A_560 : i32
    %mul3A_562 = arith.constant 4 : i32
    %mul3A_563 = arith.muli %mul3A_562, %rem3A_561 : i32
    %add3A_564 = arith.constant 0 : i32
    %add3A_565 = arith.addi %mul3A_563, %add3A_564 : i32
    %swap3A_566 = arith.index_cast %add3A_565 : i32 to index
    %swap3A_567 = arith.constant 0 : index
    %swap3A_568 = vector.load %arg12[%swap3A_566, %swap3A_567] : memref<8x512xf32, #tpu.memory_space<vmem>>, vector<1x512xf32>
    tpu.vector_store %arg12[%swap3A_566, %swap3A_567], %select_n3A_559 {strides = array<i32>} : memref<8x512xf32, #tpu.memory_space<vmem>>, vector<1x512xf32>,
    %mul3A_569 = arith.constant 4 : i32
    %mul3A_570 = arith.muli %mul3A_569, %arg0 : i32
    %add3A_571 = arith.constant 1 : i32
    %add3A_572 = arith.addi %mul3A_570, %add3A_571 : i32
    %get3A_573 = arith.index_cast %add3A_572 : i32 to index
    %get3A_574 = memref.load %arg1[%get3A_573] : memref<16xi32, #tpu.memory_space<smem>>
    %iota3A_575 = tpu.iota {dimensions = array<i32: 1>} : vector<1x512xi32>
    %ge3A_576 = vector.broadcast %get3A_574 : i32 to vector<1x512xi32>
    %ge3A_577 = arith.cmpi sge, %iota3A_575, %ge3A_576 : vector<1x512xi32>
    %slice3A_578 = vector.extract_strided_slice %add3A_546 {offsets = [0, 512], sizes = [1, 512], strides = [1, 1]} : vector<1x2048xf32> to vector<1x512xf32>
    %jit3A_579 = arith.constant 0.000000e+00 : f32
    %broadcast_in_dim3A_580 = vector.broadcast %jit3A_579 : f32 to vector<1x512xf32>
    %select_n3A_581 = arith.select %ge3A_577, %broadcast_in_dim3A_580, %slice3A_578 : vector<1x512xi1>, vector<1x512xf32>
    %rem3A_582 = arith.constant 2 : i32
    %rem3A_583 = arith.remsi %arg0, %rem3A_582 : i32
    %mul3A_584 = arith.constant 4 : i32
    %mul3A_585 = arith.muli %mul3A_584, %rem3A_583 : i32
    %add3A_586 = arith.constant 1 : i32
    %add3A_587 = arith.addi %mul3A_585, %add3A_586 : i32
    %swap3A_588 = arith.index_cast %add3A_587 : i32 to index
    %swap3A_589 = arith.constant 0 : index
    %swap3A_590 = vector.load %arg12[%swap3A_588, %swap3A_589] : memref<8x512xf32, #tpu.memory_space<vmem>>, vector<1x512xf32>
    tpu.vector_store %arg12[%swap3A_588, %swap3A_589], %select_n3A_581 {strides = array<i32>} : memref<8x512xf32, #tpu.memory_space<vmem>>, vector<1x512xf32>,
    %mul3A_591 = arith.constant 4 : i32
    %mul3A_592 = arith.muli %mul3A_591, %arg0 : i32
    %add3A_593 = arith.constant 2 : i32
    %add3A_594 = arith.addi %mul3A_592, %add3A_593 : i32
    %get3A_595 = arith.index_cast %add3A_594 : i32 to index
    %get3A_596 = memref.load %arg1[%get3A_595] : memref<16xi32, #tpu.memory_space<smem>>
    %iota3A_597 = tpu.iota {dimensions = array<i32: 1>} : vector<1x512xi32>
    %ge3A_598 = vector.broadcast %get3A_596 : i32 to vector<1x512xi32>
    %ge3A_599 = arith.cmpi sge, %iota3A_597, %ge3A_598 : vector<1x512xi32>
    %slice3A_600 = vector.extract_strided_slice %add3A_546 {offsets = [0, 1024], sizes = [1, 512], strides = [1, 1]} : vector<1x2048xf32> to vector<1x512xf32>
    %jit3A_601 = arith.constant 0.000000e+00 : f32
    %broadcast_in_dim3A_602 = vector.broadcast %jit3A_601 : f32 to vector<1x512xf32>
    %select_n3A_603 = arith.select %ge3A_599, %broadcast_in_dim3A_602, %slice3A_600 : vector<1x512xi1>, vector<1x512xf32>
    %rem3A_604 = arith.constant 2 : i32
    %rem3A_605 = arith.remsi %arg0, %rem3A_604 : i32
    %mul3A_606 = arith.constant 4 : i32
    %mul3A_607 = arith.muli %mul3A_606, %rem3A_605 : i32
    %add3A_608 = arith.constant 2 : i32
    %add3A_609 = arith.addi %mul3A_607, %add3A_608 : i32
    %swap3A_610 = arith.index_cast %add3A_609 : i32 to index
    %swap3A_611 = arith.constant 0 : index
    %swap3A_612 = vector.load %arg12[%swap3A_610, %swap3A_611] : memref<8x512xf32, #tpu.memory_space<vmem>>, vector<1x512xf32>
    tpu.vector_store %arg12[%swap3A_610, %swap3A_611], %select_n3A_603 {strides = array<i32>} : memref<8x512xf32, #tpu.memory_space<vmem>>, vector<1x512xf32>,
    %mul3A_613 = arith.constant 4 : i32
    %mul3A_614 = arith.muli %mul3A_613, %arg0 : i32
    %add3A_615 = arith.constant 3 : i32
    %add3A_616 = arith.addi %mul3A_614, %add3A_615 : i32
    %get3A_617 = arith.index_cast %add3A_616 : i32 to index
    %get3A_618 = memref.load %arg1[%get3A_617] : memref<16xi32, #tpu.memory_space<smem>>
    %iota3A_619 = tpu.iota {dimensions = array<i32: 1>} : vector<1x512xi32>
    %ge3A_620 = vector.broadcast %get3A_618 : i32 to vector<1x512xi32>
    %ge3A_621 = arith.cmpi sge, %iota3A_619, %ge3A_620 : vector<1x512xi32>
    %slice3A_622 = vector.extract_strided_slice %add3A_546 {offsets = [0, 1536], sizes = [1, 512], strides = [1, 1]} : vector<1x2048xf32> to vector<1x512xf32>
    %jit3A_623 = arith.constant 0.000000e+00 : f32
    %broadcast_in_dim3A_624 = vector.broadcast %jit3A_623 : f32 to vector<1x512xf32>
    %select_n3A_625 = arith.select %ge3A_621, %broadcast_in_dim3A_624, %slice3A_622 : vector<1x512xi1>, vector<1x512xf32>
    %rem3A_626 = arith.constant 2 : i32
    %rem3A_627 = arith.remsi %arg0, %rem3A_626 : i32
    %mul3A_628 = arith.constant 4 : i32
    %mul3A_629 = arith.muli %mul3A_628, %rem3A_627 : i32
    %add3A_630 = arith.constant 3 : i32
    %add3A_631 = arith.addi %mul3A_629, %add3A_630 : i32
    %swap3A_632 = arith.index_cast %add3A_631 : i32 to index
    %swap3A_633 = arith.constant 0 : index
    %swap3A_634 = vector.load %arg12[%swap3A_632, %swap3A_633] : memref<8x512xf32, #tpu.memory_space<vmem>>, vector<1x512xf32>
    tpu.vector_store %arg12[%swap3A_632, %swap3A_633], %select_n3A_625 {strides = array<i32>} : memref<8x512xf32, #tpu.memory_space<vmem>>, vector<1x512xf32>,
    return
  }
  func.func @transform_0(%arg0: i32) -> i32 {
    %c0_i32 = arith.constant 0 : i32
    %c0_i32_0 = arith.constant 0 : i32
    return %c0_i32 : i32
  }
  func.func @transform_1(%arg0: i32) -> (i32, i32) {
    %c0_i32 = arith.constant 0 : i32
    %c0_i32_0 = arith.constant 0 : i32
    %c0_i32_1 = arith.constant 0 : i32
    return %c0_i32, %c0_i32_0 : i32, i32
  }
  func.func @transform_2(%arg0: i32) -> (i32, i32, i32) {
    %c0_i32 = arith.constant 0 : i32
    %c0_i32_0 = arith.constant 0 : i32
    %c0_i32_1 = arith.constant 0 : i32
    return %arg0, %c0_i32, %c0_i32_0 : i32, i32, i32
  }
  func.func @transform_3(%arg0: i32) -> (i32, i32) {
    %c0_i32 = arith.constant 0 : i32
    %c0_i32_0 = arith.constant 0 : i32
    %c0_i32_1 = arith.constant 0 : i32
    return %c0_i32, %c0_i32_0 : i32, i32
  }
  func.func @transform_4(%arg0: i32) -> (i32, i32) {
    %c0_i32 = arith.constant 0 : i32
    %c0_i32_0 = arith.constant 0 : i32
    %c0_i32_1 = arith.constant 0 : i32
    return %c0_i32, %c0_i32_0 : i32, i32
  }
  func.func @transform_5(%arg0: i32) -> (i32, i32) {
    %c0_i32 = arith.constant 0 : i32
    %c0_i32_0 = arith.constant 0 : i32
    %c0_i32_1 = arith.constant 0 : i32
    return %c0_i32, %c0_i32_0 : i32, i32
  }
  func.func @transform_6(%arg0: i32) -> (i32, i32, i32) {
    %c0_i32 = arith.constant 0 : i32
    %c0_i32_0 = arith.constant 0 : i32
    %c0_i32_1 = arith.constant 0 : i32
    %c0_i32_2 = arith.constant 0 : i32
    return %c0_i32, %c0_i32_0, %c0_i32_1 : i32, i32, i32
  }
  func.func @transform_7(%arg0: i32) -> (i32, i32) {
    %c0_i32 = arith.constant 0 : i32
    %c0_i32_0 = arith.constant 0 : i32
    %c0_i32_1 = arith.constant 0 : i32
    return %c0_i32, %c0_i32_0 : i32, i32
  }
  func.func @transform_8(%arg0: i32) -> (i32, i32, i32) {
    %c0_i32 = arith.constant 0 : i32
    %c0_i32_0 = arith.constant 0 : i32
    %c0_i32_1 = arith.constant 0 : i32
    %c0_i32_2 = arith.constant 0 : i32
    return %c0_i32, %c0_i32_0, %c0_i32_1 : i32, i32, i32
  }
  func.func @transform_9(%arg0: i32) -> (i32, i32) {
    %jit3A = arith.constant 2 : i32
    %div3A = arith.divsi %arg0, %jit3A : i32
    %sign3A = arith.constant 0 : i32
    %sign3A_0 = arith.cmpi sgt, %arg0, %sign3A : i32
    %sign3A_1 = arith.extui %sign3A_0 : i1 to i32
    %sign3A_2 = arith.constant 0 : i32
    %sign3A_3 = arith.cmpi slt, %arg0, %sign3A_2 : i32
    %sign3A_4 = arith.extui %sign3A_3 : i1 to i32
    %sign3A_5 = arith.subi %sign3A_1, %sign3A_4 : i32
    %sign3A_6 = arith.constant 0 : i32
    %sign3A_7 = arith.cmpi sgt, %jit3A, %sign3A_6 : i32
    %sign3A_8 = arith.extui %sign3A_7 : i1 to i32
    %sign3A_9 = arith.constant 0 : i32
    %sign3A_10 = arith.cmpi slt, %jit3A, %sign3A_9 : i32
    %sign3A_11 = arith.extui %sign3A_10 : i1 to i32
    %sign3A_12 = arith.subi %sign3A_8, %sign3A_11 : i32
    %ne3A = arith.cmpi ne, %sign3A_5, %sign3A_12 : i32
    %rem3A = arith.remsi %arg0, %jit3A : i32
    %ne3A_13 = arith.constant 0 : i32
    %ne3A_14 = arith.cmpi ne, %rem3A, %ne3A_13 : i32
    %and3A = arith.andi %ne3A, %ne3A_14 : i1
    %sub3A = arith.constant 1 : i32
    %sub3A_15 = arith.subi %div3A, %sub3A : i32
    %select_n3A = arith.select %and3A, %sub3A_15, %div3A : i32
    %c0_i32 = arith.constant 0 : i32
    %c0_i32_16 = arith.constant 0 : i32
    return %select_n3A, %c0_i32 : i32, i32
  }
  func.func @transform_10(%arg0: i32) -> (i32, i32) {
    %jit3A = arith.constant 2 : i32
    %div3A = arith.divsi %arg0, %jit3A : i32
    %sign3A = arith.constant 0 : i32
    %sign3A_0 = arith.cmpi sgt, %arg0, %sign3A : i32
    %sign3A_1 = arith.extui %sign3A_0 : i1 to i32
    %sign3A_2 = arith.constant 0 : i32
    %sign3A_3 = arith.cmpi slt, %arg0, %sign3A_2 : i32
    %sign3A_4 = arith.extui %sign3A_3 : i1 to i32
    %sign3A_5 = arith.subi %sign3A_1, %sign3A_4 : i32
    %sign3A_6 = arith.constant 0 : i32
    %sign3A_7 = arith.cmpi sgt, %jit3A, %sign3A_6 : i32
    %sign3A_8 = arith.extui %sign3A_7 : i1 to i32
    %sign3A_9 = arith.constant 0 : i32
    %sign3A_10 = arith.cmpi slt, %jit3A, %sign3A_9 : i32
    %sign3A_11 = arith.extui %sign3A_10 : i1 to i32
    %sign3A_12 = arith.subi %sign3A_8, %sign3A_11 : i32
    %ne3A = arith.cmpi ne, %sign3A_5, %sign3A_12 : i32
    %rem3A = arith.remsi %arg0, %jit3A : i32
    %ne3A_13 = arith.constant 0 : i32
    %ne3A_14 = arith.cmpi ne, %rem3A, %ne3A_13 : i32
    %and3A = arith.andi %ne3A, %ne3A_14 : i1
    %sub3A = arith.constant 1 : i32
    %sub3A_15 = arith.subi %div3A, %sub3A : i32
    %select_n3A = arith.select %and3A, %sub3A_15, %div3A : i32
    %c0_i32 = arith.constant 0 : i32
    %c0_i32_16 = arith.constant 0 : i32
    return %select_n3A, %c0_i32 : i32, i32
  }
  func.func @transform_11(%arg0: i32) -> (i32, i32) {
    %jit3A = arith.constant 2 : i32
    %div3A = arith.divsi %arg0, %jit3A : i32
    %sign3A = arith.constant 0 : i32
    %sign3A_0 = arith.cmpi sgt, %arg0, %sign3A : i32
    %sign3A_1 = arith.extui %sign3A_0 : i1 to i32
    %sign3A_2 = arith.constant 0 : i32
    %sign3A_3 = arith.cmpi slt, %arg0, %sign3A_2 : i32
    %sign3A_4 = arith.extui %sign3A_3 : i1 to i32
    %sign3A_5 = arith.subi %sign3A_1, %sign3A_4 : i32
    %sign3A_6 = arith.constant 0 : i32
    %sign3A_7 = arith.cmpi sgt, %jit3A, %sign3A_6 : i32
    %sign3A_8 = arith.extui %sign3A_7 : i1 to i32
    %sign3A_9 = arith.constant 0 : i32
    %sign3A_10 = arith.cmpi slt, %jit3A, %sign3A_9 : i32
    %sign3A_11 = arith.extui %sign3A_10 : i1 to i32
    %sign3A_12 = arith.subi %sign3A_8, %sign3A_11 : i32
    %ne3A = arith.cmpi ne, %sign3A_5, %sign3A_12 : i32
    %rem3A = arith.remsi %arg0, %jit3A : i32
    %ne3A_13 = arith.constant 0 : i32
    %ne3A_14 = arith.cmpi ne, %rem3A, %ne3A_13 : i32
    %and3A = arith.andi %ne3A, %ne3A_14 : i1
    %sub3A = arith.constant 1 : i32
    %sub3A_15 = arith.subi %div3A, %sub3A : i32
    %select_n3A = arith.select %and3A, %sub3A_15, %div3A : i32
    %c0_i32 = arith.constant 0 : i32
    %c0_i32_16 = arith.constant 0 : i32
    return %select_n3A, %c0_i32 : i32, i32
  }
}

module attributes {stable_mosaic.version = 14 : i64} {
  func.func @_a_body(%arg0: i32, %arg1: memref<16xi32, #tpu.memory_space<smem>>, %arg2: memref<1x512x256xf32, #tpu.memory_space<vmem>>, %arg3: memref<8x512xi32, #tpu.memory_space<vmem>>, %arg4: memref<8x512xf32, #tpu.memory_space<vmem>>, %arg5: memref<8x512xf32, #tpu.memory_space<vmem>>, %arg6: memref<256x256xf32, #tpu.memory_space<vmem>>, %arg7: memref<256x256xf32, #tpu.memory_space<vmem>>, %arg8: memref<256x1xf32, #tpu.memory_space<vmem>>, %arg9: memref<256x1xf32, #tpu.memory_space<vmem>>, %arg10: memref<256x1xf32, #tpu.memory_space<vmem>>, %arg11: memref<256x1xf32, #tpu.memory_space<vmem>>, %arg12: memref<1x512x256xf32, #tpu.memory_space<vmem>>, %arg13: memref<8x2048xi32, #tpu.memory_space<vmem>>, %arg14: memref<1x1x128xi32, #tpu.memory_space<vmem>>, %arg15: memref<8x2048xi32, #tpu.memory_space<vmem>>) attributes {dimension_semantics = [#tpu.dimension_semantics<arbitrary>], iteration_bounds = array<i64: 17>, scalar_prefetch = 0 : i64, scratch_operands = 0 : i64, tpu.core_type = #tpu.core_type<tc>, window_params = [{transform_indices = @transform_0, window_bounds = array<i64: 16>}, {transform_indices = @transform_1, window_bounds = array<i64: 1, 512, 256>}, {transform_indices = @transform_2, window_bounds = array<i64: 8, 512>}, {transform_indices = @transform_3, window_bounds = array<i64: 8, 512>}, {transform_indices = @transform_4, window_bounds = array<i64: 8, 512>}, {pipeline_mode = #tpu.pipeline_mode<synchronous>, transform_indices = @transform_5, window_bounds = array<i64: 256, 256>}, {pipeline_mode = #tpu.pipeline_mode<synchronous>, transform_indices = @transform_6, window_bounds = array<i64: 256, 256>}, {pipeline_mode = #tpu.pipeline_mode<synchronous>, transform_indices = @transform_7, window_bounds = array<i64: 256, 1>}, {pipeline_mode = #tpu.pipeline_mode<synchronous>, transform_indices = @transform_8, window_bounds = array<i64: 256, 1>}, {pipeline_mode = #tpu.pipeline_mode<synchronous>, transform_indices = @transform_9, window_bounds = array<i64: 256, 1>}, {pipeline_mode = #tpu.pipeline_mode<synchronous>, transform_indices = @transform_10, window_bounds = array<i64: 256, 1>}, {transform_indices = @transform_11, window_bounds = array<i64: 1, 512, 256>}, {transform_indices = @transform_12, window_bounds = array<i64: 8, 2048>}, {transform_indices = @transform_13, window_bounds = array<i64: 1, 1, 128>}, {transform_indices = @transform_14, window_bounds = array<i64: 8, 2048>}]} {
    %eq3A = arith.constant 16 : i32
    %eq3A_0 = arith.cmpi eq, %arg0, %eq3A : i32
    %convert_element_type3A = arith.extui %eq3A_0 : i1 to i32
    %cond3A = arith.constant 0 : i32
    %cond3A_1 = arith.cmpi ne, %convert_element_type3A, %cond3A : i32
    scf.if %cond3A_1 {
      %broadcast_in_dim3A = arith.constant 0.000000e+00 : f32
      %broadcast_in_dim3A_6 = vector.broadcast %broadcast_in_dim3A : f32 to vector<1x512x256xf32>
      %swap3A = arith.constant 0 : index
      %swap3A_7 = arith.constant 0 : index
      %swap3A_8 = arith.constant 0 : index
      %swap3A_9 = vector.load %arg12[%swap3A, %swap3A_7, %swap3A_8] : memref<1x512x256xf32, #tpu.memory_space<vmem>>, vector<1x512x256xf32>
      tpu.vector_store %arg12[%swap3A, %swap3A_7, %swap3A_8], %broadcast_in_dim3A_6 {strides = array<i32>} : memref<1x512x256xf32, #tpu.memory_space<vmem>>, vector<1x512x256xf32>,
    } else {
    }
    %lt3A = arith.constant 16 : i32
    %lt3A_2 = arith.cmpi slt, %arg0, %lt3A : i32
    %convert_element_type3A_3 = arith.extui %lt3A_2 : i1 to i32
    %cond3A_4 = arith.constant 0 : i32
    %cond3A_5 = arith.cmpi ne, %convert_element_type3A_3, %cond3A_4 : i32
    scf.if %cond3A_5 {
      %rem3A = arith.constant 8 : i32
      %rem3A_6 = arith.remsi %arg0, %rem3A : i32
      %get3A = arith.constant 0 : index
      %get3A_7 = arith.constant 0 : index
      %get3A_8 = arith.constant 0 : index
      %get3A_9 = vector.load %arg2[%get3A, %get3A_7, %get3A_8] : memref<1x512x256xf32, #tpu.memory_space<vmem>>, vector<1x512x256xf32>
      %get3A_10 = vector.shape_cast %get3A_9 : vector<1x512x256xf32> to vector<512x256xf32>
      %get3A_11 = arith.index_cast %arg0 : i32 to index
      %get3A_12 = memref.load %arg1[%get3A_11] : memref<16xi32, #tpu.memory_space<smem>>
      %get3A_13 = arith.index_cast %rem3A_6 : i32 to index
      %get3A_14 = arith.constant 0 : index
      %get3A_15 = vector.load %arg4[%get3A_13, %get3A_14] : memref<8x512xf32, #tpu.memory_space<vmem>>, vector<1x512xf32>
      %get3A_16 = arith.constant 0 : index
      %get3A_17 = arith.constant 0 : index
      %get3A_18 = vector.load %arg8[%get3A_16, %get3A_17] : memref<256x1xf32, #tpu.memory_space<vmem>>, vector<256x1xf32>
      %ge3A = vector.broadcast %get3A_15 : vector<1x512xf32> to vector<256x512xf32>
      %ge3A_19 = vector.broadcast %get3A_18 : vector<256x1xf32> to vector<256x512xf32>
      %ge3A_20 = arith.cmpf oge, %ge3A, %ge3A_19 : vector<256x512xf32>
      %convert_element_type3A_21 = arith.extui %ge3A_20 : vector<256x512xi1> to vector<256x512xi32>
      %convert_element_type3A_22 = arith.sitofp %convert_element_type3A_21 : vector<256x512xi32> to vector<256x512xf32>
      %get3A_23 = arith.constant 0 : index
      %get3A_24 = arith.constant 0 : index
      %get3A_25 = vector.load %arg9[%get3A_23, %get3A_24] : memref<256x1xf32, #tpu.memory_space<vmem>>, vector<256x1xf32>
      %ge3A_26 = vector.broadcast %get3A_15 : vector<1x512xf32> to vector<256x512xf32>
      %ge3A_27 = vector.broadcast %get3A_25 : vector<256x1xf32> to vector<256x512xf32>
      %ge3A_28 = arith.cmpf oge, %ge3A_26, %ge3A_27 : vector<256x512xf32>
      %convert_element_type3A_29 = arith.extui %ge3A_28 : vector<256x512xi1> to vector<256x512xi32>
      %convert_element_type3A_30 = arith.sitofp %convert_element_type3A_29 : vector<256x512xi32> to vector<256x512xf32>
      %sub3A = arith.subf %convert_element_type3A_22, %convert_element_type3A_30 : vector<256x512xf32>
      %get3A_31 = arith.index_cast %rem3A_6 : i32 to index
      %get3A_32 = arith.constant 0 : index
      %get3A_33 = vector.load %arg5[%get3A_31, %get3A_32] : memref<8x512xf32, #tpu.memory_space<vmem>>, vector<1x512xf32>
      %get3A_34 = arith.constant 0 : index
      %get3A_35 = arith.constant 0 : index
      %get3A_36 = vector.load %arg10[%get3A_34, %get3A_35] : memref<256x1xf32, #tpu.memory_space<vmem>>, vector<256x1xf32>
      %ge3A_37 = vector.broadcast %get3A_33 : vector<1x512xf32> to vector<256x512xf32>
      %ge3A_38 = vector.broadcast %get3A_36 : vector<256x1xf32> to vector<256x512xf32>
      %ge3A_39 = arith.cmpf oge, %ge3A_37, %ge3A_38 : vector<256x512xf32>
      %convert_element_type3A_40 = arith.extui %ge3A_39 : vector<256x512xi1> to vector<256x512xi32>
      %convert_element_type3A_41 = arith.sitofp %convert_element_type3A_40 : vector<256x512xi32> to vector<256x512xf32>
      %get3A_42 = arith.constant 0 : index
      %get3A_43 = arith.constant 0 : index
      %get3A_44 = vector.load %arg11[%get3A_42, %get3A_43] : memref<256x1xf32, #tpu.memory_space<vmem>>, vector<256x1xf32>
      %ge3A_45 = vector.broadcast %get3A_33 : vector<1x512xf32> to vector<256x512xf32>
      %ge3A_46 = vector.broadcast %get3A_44 : vector<256x1xf32> to vector<256x512xf32>
      %ge3A_47 = arith.cmpf oge, %ge3A_45, %ge3A_46 : vector<256x512xf32>
      %convert_element_type3A_48 = arith.extui %ge3A_47 : vector<256x512xi1> to vector<256x512xi32>
      %convert_element_type3A_49 = arith.sitofp %convert_element_type3A_48 : vector<256x512xi32> to vector<256x512xf32>
      %sub3A_50 = arith.subf %convert_element_type3A_41, %convert_element_type3A_49 : vector<256x512xf32>
      %get3A_51 = arith.constant 0 : index
      %get3A_52 = arith.constant 0 : index
      %get3A_53 = vector.load %arg6[%get3A_51, %get3A_52] : memref<256x256xf32, #tpu.memory_space<vmem>>, vector<256x256xf32>
      %dot_general3A = arith.constant dense<0.000000e+00> : vector<512x256xf32>
      %dot_general3A_54 = tpu.matmul %sub3A, %get3A_53, %dot_general3A {dimension_numbers = #tpu.dot_dimension_numbers<[0], [0], [1], [1], [0, 1, 1, 1], [], []>, transpose_lhs_hint = false} : vector<256x512xf32>, vector<256x256xf32>, vector<512x256xf32> -> vector<512x256xf32>
      %add3A = arith.addf %get3A_10, %dot_general3A_54 : vector<512x256xf32>
      %get3A_55 = arith.constant 0 : index
      %get3A_56 = arith.constant 0 : index
      %get3A_57 = vector.load %arg7[%get3A_55, %get3A_56] : memref<256x256xf32, #tpu.memory_space<vmem>>, vector<256x256xf32>
      %dot_general3A_58 = arith.constant dense<0.000000e+00> : vector<512x256xf32>
      %dot_general3A_59 = tpu.matmul %sub3A_50, %get3A_57, %dot_general3A_58 {dimension_numbers = #tpu.dot_dimension_numbers<[0], [0], [1], [1], [0, 1, 1, 1], [], []>, transpose_lhs_hint = false} : vector<256x512xf32>, vector<256x256xf32>, vector<512x256xf32> -> vector<512x256xf32>
      %add3A_60 = arith.addf %add3A, %dot_general3A_59 : vector<512x256xf32>
      %swap3A = arith.constant 0 : index
      %swap3A_61 = arith.constant 0 : index
      %swap3A_62 = arith.constant 0 : index
      %swap3A_63 = vector.load %arg12[%swap3A, %swap3A_61, %swap3A_62] : memref<1x512x256xf32, #tpu.memory_space<vmem>>, vector<1x512x256xf32>
      %swap3A_64 = vector.shape_cast %swap3A_63 : vector<1x512x256xf32> to vector<512x256xf32>
      %swap3A_65 = vector.shape_cast %add3A_60 : vector<512x256xf32> to vector<1x512x256xf32>
      tpu.vector_store %arg12[%swap3A, %swap3A_61, %swap3A_62], %swap3A_65 {strides = array<i32>} : memref<1x512x256xf32, #tpu.memory_space<vmem>>, vector<1x512x256xf32>,
      %get3A_66 = arith.index_cast %rem3A_6 : i32 to index
      %get3A_67 = arith.constant 0 : index
      %get3A_68 = vector.load %arg3[%get3A_66, %get3A_67] : memref<8x512xi32, #tpu.memory_space<vmem>>, vector<1x512xi32>
      %convert_element_type3A_69 = arith.sitofp %get3A_68 : vector<1x512xi32> to vector<1x512xf32>
      %iota3A = tpu.iota {dimensions = array<i32: 1>} : vector<1x512xi32>
      %ge3A_70 = vector.broadcast %get3A_12 : i32 to vector<1x512xi32>
      %ge3A_71 = arith.cmpi sge, %iota3A, %ge3A_70 : vector<1x512xi32>
      %jit3A = arith.constant 0.000000e+00 : f32
      %broadcast_in_dim3A = vector.broadcast %jit3A : f32 to vector<1x512xf32>
      %select_n3A = arith.select %ge3A_71, %broadcast_in_dim3A, %convert_element_type3A_69 : vector<1x512xi1>, vector<1x512xf32>
      %iota3A_72 = tpu.iota {dimensions = array<i32: 0>} : vector<512x512xi32>
      %iota3A_73 = tpu.iota {dimensions = array<i32: 1>} : vector<512x512xi32>
      %le3A = arith.cmpi sle, %iota3A_73, %iota3A_72 : vector<512x512xi32>
      %convert_element_type3A_74 = arith.extui %le3A : vector<512x512xi1> to vector<512x512xi32>
      %convert_element_type3A_75 = arith.sitofp %convert_element_type3A_74 : vector<512x512xi32> to vector<512x512xf32>
      %dot_general3A_76 = arith.constant dense<0.000000e+00> : vector<512x1xf32>
      %dot_general3A_77 = tpu.matmul %convert_element_type3A_75, %select_n3A, %dot_general3A_76 {dimension_numbers = #tpu.dot_dimension_numbers<[1], [1], [0], [0], [0, 0, 1, 0], [], []>, transpose_lhs_hint = false} : vector<512x512xf32>, vector<1x512xf32>, vector<512x1xf32> -> vector<512x1xf32>
      %reduce_sum3A = vector.shape_cast %select_n3A : vector<1x512xf32> to vector<1x1x512xf32>
      %reduce_sum3A_78 = arith.constant dense<0.000000e+00> : vector<1xf32>
      %reduce_sum3A_79 = vector.multi_reduction <add>, %reduce_sum3A, %reduce_sum3A_78 [1, 2] : vector<1x1x512xf32> to vector<1xf32>
      %reduce_sum3A_80 = vector.shape_cast %reduce_sum3A_79 : vector<1xf32> to vector<1x1x1xf32>
      %reduce_sum3A_81 = vector.extract %reduce_sum3A_80[0, 0, 0] : f32 from vector<1x1x1xf32>
      %convert_element_type3A_82 = arith.fptosi %reduce_sum3A_81 : f32 to i32
      %min3A = arith.constant 2048 : i32
      %min3A_83 = arith.minsi %convert_element_type3A_82, %min3A : i32
      %broadcast_in_dim3A_84 = vector.broadcast %min3A_83 : i32 to vector<1x128xi32>
      %swap3A_85 = arith.constant 0 : index
      %swap3A_86 = arith.constant 0 : index
      %swap3A_87 = arith.constant 0 : index
      %swap3A_88 = vector.load %arg14[%swap3A_85, %swap3A_86, %swap3A_87] : memref<1x1x128xi32, #tpu.memory_space<vmem>>, vector<1x1x128xi32>
      %swap3A_89 = vector.shape_cast %swap3A_88 : vector<1x1x128xi32> to vector<1x128xi32>
      %swap3A_90 = vector.shape_cast %broadcast_in_dim3A_84 : vector<1x128xi32> to vector<1x1x128xi32>
      tpu.vector_store %arg14[%swap3A_85, %swap3A_86, %swap3A_87], %swap3A_90 {strides = array<i32>} : memref<1x1x128xi32, #tpu.memory_space<vmem>>, vector<1x1x128xi32>,
      %iota3A_91 = tpu.iota {dimensions = array<i32: 1>} : vector<1x2048xi32>
      %convert_element_type3A_92 = arith.sitofp %iota3A_91 : vector<1x2048xi32> to vector<1x2048xf32>
      %le3A_93 = vector.broadcast %dot_general3A_77 : vector<512x1xf32> to vector<512x2048xf32>
      %le3A_94 = vector.broadcast %convert_element_type3A_92 : vector<1x2048xf32> to vector<512x2048xf32>
      %le3A_95 = arith.cmpf ole, %le3A_93, %le3A_94 : vector<512x2048xf32>
      %convert_element_type3A_96 = arith.extui %le3A_95 : vector<512x2048xi1> to vector<512x2048xi32>
      %convert_element_type3A_97 = arith.sitofp %convert_element_type3A_96 : vector<512x2048xi32> to vector<512x2048xf32>
      %broadcast_in_dim3A_98 = arith.constant 1.000000e+00 : f32
      %broadcast_in_dim3A_99 = vector.broadcast %broadcast_in_dim3A_98 : f32 to vector<1x512xf32>
      %dot_general3A_100 = arith.constant dense<0.000000e+00> : vector<1x2048xf32>
      %dot_general3A_101 = tpu.matmul %broadcast_in_dim3A_99, %convert_element_type3A_97, %dot_general3A_100 {dimension_numbers = #tpu.dot_dimension_numbers<[1], [0], [0], [1], [0, 0, 1, 1], [], []>, transpose_lhs_hint = false} : vector<1x512xf32>, vector<512x2048xf32>, vector<1x2048xf32> -> vector<1x2048xf32>
      %convert_element_type3A_102 = arith.fptosi %dot_general3A_101 : vector<1x2048xf32> to vector<1x2048xi32>
      %jit3A_103 = arith.constant 0 : i32
      %jit3A_104 = arith.constant 511 : i32
      %max3A = vector.broadcast %jit3A_103 : i32 to vector<1x2048xi32>
      %max3A_105 = arith.maxsi %max3A, %convert_element_type3A_102 : vector<1x2048xi32>
      %min3A_106 = vector.broadcast %jit3A_104 : i32 to vector<1x2048xi32>
      %min3A_107 = arith.minsi %min3A_106, %max3A_105 : vector<1x2048xi32>
      %and3A = arith.constant 511 : i32
      %and3A_108 = vector.broadcast %and3A : i32 to vector<1x2048xi32>
      %and3A_109 = arith.andi %iota3A_91, %and3A_108 : vector<1x2048xi32>
      %add3A_110 = arith.constant 8192 : i32
      %add3A_111 = vector.broadcast %add3A_110 : i32 to vector<1x2048xi32>
      %add3A_112 = arith.addi %add3A_111, %and3A_109 : vector<1x2048xi32>
      %lt3A_113 = vector.broadcast %min3A_83 : i32 to vector<1x2048xi32>
      %lt3A_114 = arith.cmpi slt, %iota3A_91, %lt3A_113 : vector<1x2048xi32>
      %mul3A = arith.constant 512 : i32
      %mul3A_115 = arith.muli %arg0, %mul3A : i32
      %add3A_116 = vector.broadcast %mul3A_115 : i32 to vector<1x2048xi32>
      %add3A_117 = arith.addi %min3A_107, %add3A_116 : vector<1x2048xi32>
      %select_n3A_118 = arith.select %lt3A_114, %add3A_117, %add3A_112 : vector<1x2048xi1>, vector<1x2048xi32>
      %swap3A_119 = arith.index_cast %rem3A_6 : i32 to index
      %swap3A_120 = arith.constant 0 : index
      %swap3A_121 = vector.load %arg13[%swap3A_119, %swap3A_120] : memref<8x2048xi32, #tpu.memory_space<vmem>>, vector<1x2048xi32>
      tpu.vector_store %arg13[%swap3A_119, %swap3A_120], %select_n3A_118 {strides = array<i32>} : memref<8x2048xi32, #tpu.memory_space<vmem>>, vector<1x2048xi32>,
      %ge3A_122 = vector.broadcast %min3A_83 : i32 to vector<1x2048xi32>
      %ge3A_123 = arith.cmpi sge, %iota3A_91, %ge3A_122 : vector<1x2048xi32>
      %convert_element_type3A_124 = arith.extui %ge3A_123 : vector<1x2048xi1> to vector<1x2048xi32>
      %swap3A_125 = arith.index_cast %rem3A_6 : i32 to index
      %swap3A_126 = arith.constant 0 : index
      %swap3A_127 = vector.load %arg15[%swap3A_125, %swap3A_126] : memref<8x2048xi32, #tpu.memory_space<vmem>>, vector<1x2048xi32>
      tpu.vector_store %arg15[%swap3A_125, %swap3A_126], %convert_element_type3A_124 {strides = array<i32>} : memref<8x2048xi32, #tpu.memory_space<vmem>>, vector<1x2048xi32>,
    } else {
    }
    return
  }
  func.func @transform_0(%arg0: i32) -> i32 {
    %c0_i32 = arith.constant 0 : i32
    %c0_i32_0 = arith.constant 0 : i32
    return %c0_i32 : i32
  }
  func.func @transform_1(%arg0: i32) -> (i32, i32, i32) {
    %min3A = arith.constant 15 : i32
    %min3A_0 = arith.minsi %arg0, %min3A : i32
    %c0_i32 = arith.constant 0 : i32
    %c0_i32_1 = arith.constant 0 : i32
    %c0_i32_2 = arith.constant 0 : i32
    return %min3A_0, %c0_i32, %c0_i32_1 : i32, i32, i32
  }
  func.func @transform_2(%arg0: i32) -> (i32, i32) {
    %min3A = arith.constant 15 : i32
    %min3A_0 = arith.minsi %arg0, %min3A : i32
    %jit3A = arith.constant 8 : i32
    %div3A = arith.divsi %min3A_0, %jit3A : i32
    %sign3A = arith.constant 0 : i32
    %sign3A_1 = arith.cmpi sgt, %min3A_0, %sign3A : i32
    %sign3A_2 = arith.extui %sign3A_1 : i1 to i32
    %sign3A_3 = arith.constant 0 : i32
    %sign3A_4 = arith.cmpi slt, %min3A_0, %sign3A_3 : i32
    %sign3A_5 = arith.extui %sign3A_4 : i1 to i32
    %sign3A_6 = arith.subi %sign3A_2, %sign3A_5 : i32
    %sign3A_7 = arith.constant 0 : i32
    %sign3A_8 = arith.cmpi sgt, %jit3A, %sign3A_7 : i32
    %sign3A_9 = arith.extui %sign3A_8 : i1 to i32
    %sign3A_10 = arith.constant 0 : i32
    %sign3A_11 = arith.cmpi slt, %jit3A, %sign3A_10 : i32
    %sign3A_12 = arith.extui %sign3A_11 : i1 to i32
    %sign3A_13 = arith.subi %sign3A_9, %sign3A_12 : i32
    %ne3A = arith.cmpi ne, %sign3A_6, %sign3A_13 : i32
    %rem3A = arith.remsi %min3A_0, %jit3A : i32
    %ne3A_14 = arith.constant 0 : i32
    %ne3A_15 = arith.cmpi ne, %rem3A, %ne3A_14 : i32
    %and3A = arith.andi %ne3A, %ne3A_15 : i1
    %sub3A = arith.constant 1 : i32
    %sub3A_16 = arith.subi %div3A, %sub3A : i32
    %select_n3A = arith.select %and3A, %sub3A_16, %div3A : i32
    %c0_i32 = arith.constant 0 : i32
    %c0_i32_17 = arith.constant 0 : i32
    return %select_n3A, %c0_i32 : i32, i32
  }
  func.func @transform_3(%arg0: i32) -> (i32, i32) {
    %min3A = arith.constant 15 : i32
    %min3A_0 = arith.minsi %arg0, %min3A : i32
    %jit3A = arith.constant 8 : i32
    %div3A = arith.divsi %min3A_0, %jit3A : i32
    %sign3A = arith.constant 0 : i32
    %sign3A_1 = arith.cmpi sgt, %min3A_0, %sign3A : i32
    %sign3A_2 = arith.extui %sign3A_1 : i1 to i32
    %sign3A_3 = arith.constant 0 : i32
    %sign3A_4 = arith.cmpi slt, %min3A_0, %sign3A_3 : i32
    %sign3A_5 = arith.extui %sign3A_4 : i1 to i32
    %sign3A_6 = arith.subi %sign3A_2, %sign3A_5 : i32
    %sign3A_7 = arith.constant 0 : i32
    %sign3A_8 = arith.cmpi sgt, %jit3A, %sign3A_7 : i32
    %sign3A_9 = arith.extui %sign3A_8 : i1 to i32
    %sign3A_10 = arith.constant 0 : i32
    %sign3A_11 = arith.cmpi slt, %jit3A, %sign3A_10 : i32
    %sign3A_12 = arith.extui %sign3A_11 : i1 to i32
    %sign3A_13 = arith.subi %sign3A_9, %sign3A_12 : i32
    %ne3A = arith.cmpi ne, %sign3A_6, %sign3A_13 : i32
    %rem3A = arith.remsi %min3A_0, %jit3A : i32
    %ne3A_14 = arith.constant 0 : i32
    %ne3A_15 = arith.cmpi ne, %rem3A, %ne3A_14 : i32
    %and3A = arith.andi %ne3A, %ne3A_15 : i1
    %sub3A = arith.constant 1 : i32
    %sub3A_16 = arith.subi %div3A, %sub3A : i32
    %select_n3A = arith.select %and3A, %sub3A_16, %div3A : i32
    %c0_i32 = arith.constant 0 : i32
    %c0_i32_17 = arith.constant 0 : i32
    return %select_n3A, %c0_i32 : i32, i32
  }
  func.func @transform_4(%arg0: i32) -> (i32, i32) {
    %min3A = arith.constant 15 : i32
    %min3A_0 = arith.minsi %arg0, %min3A : i32
    %jit3A = arith.constant 8 : i32
    %div3A = arith.divsi %min3A_0, %jit3A : i32
    %sign3A = arith.constant 0 : i32
    %sign3A_1 = arith.cmpi sgt, %min3A_0, %sign3A : i32
    %sign3A_2 = arith.extui %sign3A_1 : i1 to i32
    %sign3A_3 = arith.constant 0 : i32
    %sign3A_4 = arith.cmpi slt, %min3A_0, %sign3A_3 : i32
    %sign3A_5 = arith.extui %sign3A_4 : i1 to i32
    %sign3A_6 = arith.subi %sign3A_2, %sign3A_5 : i32
    %sign3A_7 = arith.constant 0 : i32
    %sign3A_8 = arith.cmpi sgt, %jit3A, %sign3A_7 : i32
    %sign3A_9 = arith.extui %sign3A_8 : i1 to i32
    %sign3A_10 = arith.constant 0 : i32
    %sign3A_11 = arith.cmpi slt, %jit3A, %sign3A_10 : i32
    %sign3A_12 = arith.extui %sign3A_11 : i1 to i32
    %sign3A_13 = arith.subi %sign3A_9, %sign3A_12 : i32
    %ne3A = arith.cmpi ne, %sign3A_6, %sign3A_13 : i32
    %rem3A = arith.remsi %min3A_0, %jit3A : i32
    %ne3A_14 = arith.constant 0 : i32
    %ne3A_15 = arith.cmpi ne, %rem3A, %ne3A_14 : i32
    %and3A = arith.andi %ne3A, %ne3A_15 : i1
    %sub3A = arith.constant 1 : i32
    %sub3A_16 = arith.subi %div3A, %sub3A : i32
    %select_n3A = arith.select %and3A, %sub3A_16, %div3A : i32
    %c0_i32 = arith.constant 0 : i32
    %c0_i32_17 = arith.constant 0 : i32
    return %select_n3A, %c0_i32 : i32, i32
  }
  func.func @transform_5(%arg0: i32) -> (i32, i32) {
    %c0_i32 = arith.constant 0 : i32
    %c0_i32_0 = arith.constant 0 : i32
    %c0_i32_1 = arith.constant 0 : i32
    return %c0_i32, %c0_i32_0 : i32, i32
  }
  func.func @transform_6(%arg0: i32) -> (i32, i32) {
    %c0_i32 = arith.constant 0 : i32
    %c0_i32_0 = arith.constant 0 : i32
    %c0_i32_1 = arith.constant 0 : i32
    return %c0_i32, %c0_i32_0 : i32, i32
  }
  func.func @transform_7(%arg0: i32) -> (i32, i32) {
    %c0_i32 = arith.constant 0 : i32
    %c0_i32_0 = arith.constant 0 : i32
    %c0_i32_1 = arith.constant 0 : i32
    return %c0_i32, %c0_i32_0 : i32, i32
  }
  func.func @transform_8(%arg0: i32) -> (i32, i32) {
    %c0_i32 = arith.constant 0 : i32
    %c0_i32_0 = arith.constant 0 : i32
    %c0_i32_1 = arith.constant 0 : i32
    return %c0_i32, %c0_i32_0 : i32, i32
  }
  func.func @transform_9(%arg0: i32) -> (i32, i32) {
    %c0_i32 = arith.constant 0 : i32
    %c0_i32_0 = arith.constant 0 : i32
    %c0_i32_1 = arith.constant 0 : i32
    return %c0_i32, %c0_i32_0 : i32, i32
  }
  func.func @transform_10(%arg0: i32) -> (i32, i32) {
    %c0_i32 = arith.constant 0 : i32
    %c0_i32_0 = arith.constant 0 : i32
    %c0_i32_1 = arith.constant 0 : i32
    return %c0_i32, %c0_i32_0 : i32, i32
  }
  func.func @transform_11(%arg0: i32) -> (i32, i32, i32) {
    %c0_i32 = arith.constant 0 : i32
    %c0_i32_0 = arith.constant 0 : i32
    %c0_i32_1 = arith.constant 0 : i32
    return %arg0, %c0_i32, %c0_i32_0 : i32, i32, i32
  }
  func.func @transform_12(%arg0: i32) -> (i32, i32) {
    %min3A = arith.constant 15 : i32
    %min3A_0 = arith.minsi %arg0, %min3A : i32
    %jit3A = arith.constant 8 : i32
    %div3A = arith.divsi %min3A_0, %jit3A : i32
    %sign3A = arith.constant 0 : i32
    %sign3A_1 = arith.cmpi sgt, %min3A_0, %sign3A : i32
    %sign3A_2 = arith.extui %sign3A_1 : i1 to i32
    %sign3A_3 = arith.constant 0 : i32
    %sign3A_4 = arith.cmpi slt, %min3A_0, %sign3A_3 : i32
    %sign3A_5 = arith.extui %sign3A_4 : i1 to i32
    %sign3A_6 = arith.subi %sign3A_2, %sign3A_5 : i32
    %sign3A_7 = arith.constant 0 : i32
    %sign3A_8 = arith.cmpi sgt, %jit3A, %sign3A_7 : i32
    %sign3A_9 = arith.extui %sign3A_8 : i1 to i32
    %sign3A_10 = arith.constant 0 : i32
    %sign3A_11 = arith.cmpi slt, %jit3A, %sign3A_10 : i32
    %sign3A_12 = arith.extui %sign3A_11 : i1 to i32
    %sign3A_13 = arith.subi %sign3A_9, %sign3A_12 : i32
    %ne3A = arith.cmpi ne, %sign3A_6, %sign3A_13 : i32
    %rem3A = arith.remsi %min3A_0, %jit3A : i32
    %ne3A_14 = arith.constant 0 : i32
    %ne3A_15 = arith.cmpi ne, %rem3A, %ne3A_14 : i32
    %and3A = arith.andi %ne3A, %ne3A_15 : i1
    %sub3A = arith.constant 1 : i32
    %sub3A_16 = arith.subi %div3A, %sub3A : i32
    %select_n3A = arith.select %and3A, %sub3A_16, %div3A : i32
    %c0_i32 = arith.constant 0 : i32
    %c0_i32_17 = arith.constant 0 : i32
    return %select_n3A, %c0_i32 : i32, i32
  }
  func.func @transform_13(%arg0: i32) -> (i32, i32, i32) {
    %min3A = arith.constant 15 : i32
    %min3A_0 = arith.minsi %arg0, %min3A : i32
    %c0_i32 = arith.constant 0 : i32
    %c0_i32_1 = arith.constant 0 : i32
    %c0_i32_2 = arith.constant 0 : i32
    return %min3A_0, %c0_i32, %c0_i32_1 : i32, i32, i32
  }
  func.func @transform_14(%arg0: i32) -> (i32, i32) {
    %min3A = arith.constant 15 : i32
    %min3A_0 = arith.minsi %arg0, %min3A : i32
    %jit3A = arith.constant 8 : i32
    %div3A = arith.divsi %min3A_0, %jit3A : i32
    %sign3A = arith.constant 0 : i32
    %sign3A_1 = arith.cmpi sgt, %min3A_0, %sign3A : i32
    %sign3A_2 = arith.extui %sign3A_1 : i1 to i32
    %sign3A_3 = arith.constant 0 : i32
    %sign3A_4 = arith.cmpi slt, %min3A_0, %sign3A_3 : i32
    %sign3A_5 = arith.extui %sign3A_4 : i1 to i32
    %sign3A_6 = arith.subi %sign3A_2, %sign3A_5 : i32
    %sign3A_7 = arith.constant 0 : i32
    %sign3A_8 = arith.cmpi sgt, %jit3A, %sign3A_7 : i32
    %sign3A_9 = arith.extui %sign3A_8 : i1 to i32
    %sign3A_10 = arith.constant 0 : i32
    %sign3A_11 = arith.cmpi slt, %jit3A, %sign3A_10 : i32
    %sign3A_12 = arith.extui %sign3A_11 : i1 to i32
    %sign3A_13 = arith.subi %sign3A_9, %sign3A_12 : i32
    %ne3A = arith.cmpi ne, %sign3A_6, %sign3A_13 : i32
    %rem3A = arith.remsi %min3A_0, %jit3A : i32
    %ne3A_14 = arith.constant 0 : i32
    %ne3A_15 = arith.cmpi ne, %rem3A, %ne3A_14 : i32
    %and3A = arith.andi %ne3A, %ne3A_15 : i1
    %sub3A = arith.constant 1 : i32
    %sub3A_16 = arith.subi %div3A, %sub3A : i32
    %select_n3A = arith.select %and3A, %sub3A_16, %div3A : i32
    %c0_i32 = arith.constant 0 : i32
    %c0_i32_17 = arith.constant 0 : i32
    return %select_n3A, %c0_i32 : i32, i32
  }
}

</mosaic_0001>

<sc_bundles>
// kernel: kernel.5.cloned.1.call-start
scs
__scs_entry_jumppad:
0x0: {  	(pc) =	sbr.rel $0x88, $3  }
0x1: {  	(tag) =	ssettag $0x0;
	lr =	simm.s32 $0x1  }
0x2: {  	[smem:$0x3F8E] =	sst lr;
	_ =	strace $0xD0000000  }
0x3: {  	_ = 	snop  }
0x4: {  	_ = 	snop  }
0x5: {  	_ = 	snop  }
0x6: {  	_ = 	snop  }
0x7: {  	_ = 	snop  }
__scs_overlays_trampoline_lowered:
0x8: {  	[smem:$0x3F9D] =	sst s0  }
0x9: {  	[smem:$0x3F9E] =	sst s1  }
0xa: {  	[smem:$0x3F9F] =	sst s2  }
0xb: {  	[smem:$0x3FA0] =	sst s3  }
0xc: {  	[smem:$0x3FA1] =	sst s4  }
0xd: {  	[smem:$0x3FA2] =	sst s5  }
0xe: {  	[smem:$0x3FA3] =	sst s6  }
0xf: {  	[smem:$0x3FA4] =	sst s7  }
0x10: {  	[smem:$0x3FA5] =	sst s8  }
0x11: {  	[smem:$0x3FA6] =	sst s9;
	s0 =	simm.s32 @!p0 $0x0  }
0x12: {  	s1 =	sld [smem:$0x3F8C];
	s0 =	simm.s32 @p0 $0x1  }
0x13: {  	[smem:$0x3FA7] =	sst s0;
	s0 =	simm.s32 @!p1 $0x0  }
0x14: {  	s2 =	sld [smem:$0x3F8B];
	s0 =	simm.s32 @p1 $0x1  }
0x15: {  	[smem:$0x3FA8] =	sst s0;
	s0 =	simm.s32 @!p2 $0x0  }
0x16: {  	s3 =	sld [smem:$0x3FDB];
	s0 =	simm.s32 @p2 $0x1  }
0x17: {  	s4 =	simm.s32 $0x1BF5;
	[smem:$0x3FAA] =	sst s0  }
0x18: {  	s0 =	sld [smem:$0x3F8D];
	_ =	swait.ge [sflag:s4], $0x0  }
0x19: {  	s7 =	sld [smem:$0x3F8E]  }
0x1a: {  	s8 =	sadd.s32 $0xFFFFE003, lr  }
0x1b: {  	s9 =	sadd.s32 $0xFFFFFEF7, lr;
	s5 =	simm.s32 $0xFFFFFFFF;
	p2 =	slt.u32 s8, $0xFFFFF086  }
0x1c: {  	p1 =	slt.u32 s9, $0xF7A;
	s5 =	simm.s32 @!p2 $0x0  }
0x1d: {  	s5 =	simm.s32 @p1 $0x1;
	p0 =	seq.s32 s7, s2  }
0x1e: {  	s7 =	smul.u32 @!p0 $0xF7A, s2;
	p2 =	seq.s32 @!p0 s5, $0x0  }
0x1f: {  	s9 =	smul.u32 $0xF7A, s1;
	s8 =	simm.s32 @!p0 $0x1BF5;
	p2 =	por !p2, p0  }
0x20: {  	[sflag:s8] =	ssyncset.s32 @!p0 $0xFFFFF086;
	s6 =	sadd.s32 @!p0 s3, s7;
	s7 =	simm.s32 @!p0 $0x108  }
0x21: {  	s3 =	sadd.s32 s3, s9;
	s6 =	sadd.s32 @!p0 $0x88, s6;
	s7 =	simm.s32 @p2 $0x1082  }
0x22: {  	[simem:s7], [sflag:s8] =	dma.local @!p0 [hbm:s6], $0xF7A  }
0x23: {  	s9 =	sor.u32 $0xD0000000, s2;
	s6 =	simm.s32 $0x108;
	_ =	swait.ge @!p0 [sflag:s8], $0x0  }
0x24: {  	s3 =	sadd.s32 $0x88, s3;
	s6 =	simm.s32 @!p1 $0x1082;
	[sflag:s4] =	ssyncset.s32 $0xFFFFF086  }
0x25: {  	[simem:s6], [sflag:s4] =	dma.local [hbm:s3], $0xF7A  }
0x26: {  	[smem:$0x3F8E] =	sst s1;
	(tag) =	ssettag s2;
	_ =	strace s9  }
0x27: {  	s1 =	sld [smem:$0x3F9E]  }
0x28: {  	s2 =	sld [smem:$0x3F9F]  }
0x29: {  	s4 =	sld [smem:$0x3FA1]  }
0x2a: {  	p0 =	seq.s32 s5, $0x0;
	s5 =	sld [smem:$0x3FA2]  }
0x2b: {  	s6 =	sld [smem:$0x3FA3]  }
0x2c: {  	s7 =	sld [smem:$0x3FA4]  }
0x2d: {  	s3 =	simm.s32 $0x108;
	s8 =	sld [smem:$0x3FA5]  }
0x2e: {  	s3 =	simm.s32 @!p0 $0x1082;
	s9 =	sld [smem:$0x3FA6]  }
0x2f: {  	lr =	sadd.s32 s0, s3;
	s0 =	sld [smem:$0x3F9D]  }
0x30: {  	s3 =	sld [smem:$0x3FA0]  }
0x31: {  	[smem:$0x3FA9] =	sst s10  }
0x32: {  	s10 =	sld [smem:$0x3FA7];
	_ =	sdelay $0x3  }
0x33: {  	p0 =	seq.s32 s10, $0x1;
	s10 =	sld [smem:$0x3FA9];
	_ =	sdelay $0x3  }
0x34: {  	[smem:$0x3FA9] =	sst s10  }
0x35: {  	s10 =	sld [smem:$0x3FA8];
	_ =	sdelay $0x3  }
0x36: {  	p1 =	seq.s32 s10, $0x1;
	s10 =	sld [smem:$0x3FA9];
	_ =	sdelay $0x3  }
0x37: {  	[smem:$0x3FA9] =	sst s10  }
0x38: {  	s10 =	sld [smem:$0x3FAA]  }
0x39: {  	_ = 	snop;
	(pc) =	sbr.ind lr, $3  }
0x3a: {  	_ = 	snop  }
0x3b: {  	_ = 	snop  }
0x3c: {  	p2 =	seq.s32 s10, $0x1;
	s10 =	sld [smem:$0x3FA9]  }
0x3d: {  	_ =	shalt  }
0x3e: {  	_ =	shalt  }
0x3f: {  	_ =	shalt  }
0x40: {  	_ =	shalt  }
0x41: {  	_ =	shalt  }
0x42: {  	_ =	shalt  }
0x43: {  	_ =	shalt  }
0x44: {  	_ =	shalt  }
0x45: {  	_ =	shalt  }
0x46: {  	_ =	shalt  }
0x47: {  	_ =	shalt  }
0x48: {  	_ =	shalt  }
0x49: {  	_ =	shalt  }
0x4a: {  	_ =	shalt  }
0x4b: {  	_ =	shalt  }
0x4c: {  	_ =	shalt  }
0x4d: {  	_ =	shalt  }
0x4e: {  	_ =	shalt  }
0x4f: {  	_ =	shalt  }
0x50: {  	_ =	shalt  }
0x51: {  	_ =	shalt  }
0x52: {  	_ =	shalt  }
0x53: {  	_ =	shalt  }
0x54: {  	_ =	shalt  }
0x55: {  	_ =	shalt  }
0x56: {  	_ =	shalt  }
0x57: {  	_ =	shalt  }
0x58: {  	_ =	shalt  }
0x59: {  	_ =	shalt  }
0x5a: {  	_ =	shalt  }
0x5b: {  	_ =	shalt  }
0x5c: {  	_ =	shalt  }
0x5d: {  	_ =	shalt  }
0x5e: {  	_ =	shalt  }
0x5f: {  	_ =	shalt  }
0x60: {  	_ =	shalt  }
0x61: {  	_ =	shalt  }
0x62: {  	_ =	shalt  }
0x63: {  	_ =	shalt  }
0x64: {  	_ =	shalt  }
0x65: {  	_ =	shalt  }
0x66: {  	_ =	shalt  }
0x67: {  	_ =	shalt  }
0x68: {  	_ =	shalt  }
0x69: {  	_ =	shalt  }
0x6a: {  	_ =	shalt  }
0x6b: {  	_ =	shalt  }
0x6c: {  	_ =	shalt  }
0x6d: {  	_ =	shalt  }
0x6e: {  	_ =	shalt  }
0x6f: {  	_ =	shalt  }
0x70: {  	_ =	shalt  }
0x71: {  	_ =	shalt  }
0x72: {  	_ =	shalt  }
0x73: {  	_ =	shalt  }
0x74: {  	_ =	shalt  }
0x75: {  	_ =	shalt  }
0x76: {  	_ =	shalt  }
0x77: {  	_ =	shalt  }
0x78: {  	_ =	shalt  }
0x79: {  	_ =	shalt  }
0x7a: {  	_ =	shalt  }
0x7b: {  	_ =	shalt  }
0x7c: {  	_ =	shalt  }
0x7d: {  	_ =	shalt  }
0x7e: {  	_ =	shalt  }
0x7f: {  	_ =	shalt  }
0x80: {  	_ =	shalt  }
0x81: {  	_ =	shalt  }
0x82: {  	_ =	shalt  }
0x83: {  	_ =	shalt  }
0x84: {  	_ =	shalt  }
0x85: {  	_ =	shalt  }
0x86: {  	_ =	shalt  }
0x87: {  	_ =	shalt  }
.Lfunc_end0:
.L_simem_size_0:
called_computation_lowered:
.L_overlay_start_0:
0x88: {  	s2 =	sld [smem:$0x3FD9]  }
0x89: {  	s3 =	sld [smem:$0x3FFE];
	_ =	sdelay $0x1  }
0x8a: {  	s1 =	srdreg.scid  }
0x8b: {  	s0 =	sand.u32 $0x1, s1  }
0x8c: {  	s14 =	sshll.u32 s0, $0xA;
	s2 =	sadd.s32 s3, s2  }
0x8d: {  	s2 =	sadd.s32 s2, s14  }
0x8e: {  	[smem:$0x3FB5] =	sst s2  }
0x8f: {  	_ = 	snop  }
0x90: {  	s2 =	sld [smem:$0x3FD0];
	_ =	sdelay $0x2  }
0x91: {  	s15 =	simm.s32 $0xA;
	s4 =	simm.s32 $0x10  }
0x92: {  	[smem:s4], [sflag:s15] =	dma.local [hbm:s2], $0x1  }
0x93: {  	_ =	swait.eq [sflag:s15], $0x1  }
0x94: {  	[sflag:s15] =	ssyncset.done $0x0  }
0x95: {  	[sflag:s15] =	ssyncadd.s32 $0xFFFFFFFF  }
0x96: {  	s16 =	sld [smem:$0x10];
	(tm) =	ssettm $0x1  }
0x97: {  	s17 =	sld [smem:$0x3FFB];
	_ =	sdelay $0x3  }
0x98: {  	_ =	strace s17  }
0x99: {  	s3 =	sld [smem:$0x3FFC];
	_ =	sdelay $0x3  }
0x9a: {  	_ =	strace s3  }
0x9b: {  	s3 =	sld [smem:$0x3FFD];
	_ =	sdelay $0x3  }
0x9c: {  	_ =	strace s3  }
0x9d: {  	_ =	strace $0x8FFFFFFF  }
0x9e: {  	s18 =	sld [smem:$0x3FDB];
	_ =	sdelay $0x1  }
0x9f: {  	s19 =	simm.s32 $_scs_section_size  }
0xa0: {  	s5 =	simm.s32 $_size__tile_overlayer_lowered;
	s6 =	simm.s32 $_tile_overlayer_lowered  }
0xa1: {  	s22 =	simm.s32 $0x1BFF;
	s21 =	sshll.u32 s6, $0x1;
	s3 =	sadd.s32 s19, s18  }
0xa2: {  	s7 =	simm.s32 $0x0;
	s20 =	sshll.u32 s5, $0x1;
	s5 =	sadd.s32 s21, s3  }
0xa3: {  	[timem:s7], [sflag:s22] =	dma.local [hbm:s5], s20  }
0xa4: {  	_ =	swait.ge [sflag:s22], s20  }
0xa5: {  	s4 =	ssub.s32 $0x0, s20;
	[sflag:s22] =	ssyncset.done $0x0  }
0xa6: {  	[sflag:s22] =	ssyncadd.s32 s4;
	_ =	sdelay $0x1  }
0xa7: {  	s23 =	simm.s32 $0x1B8B  }
0xa8: {  	_ =	swait.ge [sflag:s23], $0x1  }
0xa9: {  	[sflag:s23] =	ssyncset.done $0x0  }
0xaa: {  	s25 =	simm.s32 $0x1B8E;
	s24 =	sld [smem:$0x3FFE];
	[sflag:s23] =	ssyncadd.s32 $0xFFFFFFFF  }
0xab: {  	s26 =	simm.s32 $execute0_lowered;
	[smem:$0x3FD2] =	sst s25  }
0xac: {  	s5 =	sshll.u32 s26, $0x1;
	_ =	strace $0x80000046;
	[dreg:$0x1] =	wrdreg $0xFFFFFFFF  }
0xad: {  	s28 =	simm.s32 $_size_execute0_lowered;
	s3 =	sadd.s32 s3, s5;
	[dreg:$0x0] =	wrdreg $0x0  }
0xae: {  	s5 =	sshll.u32 s28, $0x1;
	[dreg:$0x2] =	wrdreg s3  }
0xaf: {  	[dreg:$0x3] =	wrdreg s5  }
0xb0: {  	[dreg:$0x4] =	wrdreg $0xC0  }
0xb1: {  	_ =	task [dreg:s7], $0x5FFFF  }
0xb2: {  	[dreg:$0x1] =	wrdreg $0xFFFFFFFF  }
0xb3: {  	[dreg:$0x0] =	wrdreg $0x60  }
0xb4: {  	[dreg:$0x2] =	wrdreg s24  }
0xb5: {  	[dreg:$0x3] =	wrdreg s16  }
0xb6: {  	[dreg:$0x4] =	wrdreg $0x9  }
0xb7: {  	_ =	task.clear_ibuf [dreg:s7], $0x5FFFF;
	_ =	strace $0x90000046  }
0xb8: {  	s29 =	simm.s32 $0x9;
	_ =	strace $0x80000048  }
0xb9: {  	_ =	swait.ge [sflag:s29], $0x1  }
0xba: {  	[sflag:s29] =	ssyncadd.s32 $0xFFFFFFFF  }
0xbb: {  	_ =	strace $0x90000048  }
0xbc: {  	_ =	sfence  }
0xbd: {  	s30 =	sld [smem:$0x0];
	_ =	sdelay $0x2  }
0xbe: {  	s31 =	sshll.u32 s1, $0xD;
	s1 =	sshrl.u32 s1, $0x2  }
0xbf: {  	s3 =	sand.u32 $0x4000, s31;
	s1 =	sadd.s32 s1, s30  }
0xc0: {  	s0 =	sor.u32 s3, s0;
	s1 =	sshll.u32 s1, $0x11  }
0xc1: {  	s0 =	sor.u32 s1, s0  }
0xc2: {  	s0 =	sadd.s32 $0x8F2B, s0  }
0xc3: {  	[sflag:s0] =	ssyncadd.remote.s32 $0x1  }
0xc4: {  	_ =	sfence.sel $0xFFFF  }
0xc5: {  	[dreg:$0x0] =	wrdreg $0xFFFFFFFF;
	(pc) =	sbr.abs _section_cstart, $3  }
0xc6: {  	[dreg:$0x1] =	wrdreg $0xFFFFFFFF  }
0xc7: {  	_ =	task.clear_ibuf [dreg:s7], $0x2FFFF;
	_ =	strace $0x9FFFFFFF  }
0xc8: {  	(tm) =	ssettm $0x7FFFFFFF  }
0xc9: {  	_ =	shalt  }
tec
execute0_lowered:
.L_overlay_start_1:
0x0: {  	(tag) =	ssettag $0x1  }
0x1: {  	s0 =	srdreg.scid  }
0x2: {  	s2 =	stileid.u32;
	s0 =	sand.u32 $0x1, s0  }
0x3: {  	s1 =	rddreg [dreg:$0x0];
	s2 =	sshll.u32 s2, $0xB;
	s3 =	sshll.u32 s0, $0xA  }
0x4: {  	s4 =	rddreg [dreg:$0x1];
	s6 =	simm.s32 $0x3;
	s3 =	sor.u32 s3, s2  }
0x5: {  	s2 =	simm.s32 $0x0;
	s5 =	sshrl.u32 s3, $0x3;
	s3 =	sshll.u32 s3, $0x5  }
0x6: {  	[smem:$0x7FF] =	sst s2;
	s5 =	sadd.s32 s5, s1;
	s4 =	sadd.s32 s4, s3  }
0x7: {  	_ =	strace $0x80000047;
	s5 =	sadd.s32 $0x47200, s5;
	[dreg:$0xb] =	wrdreg s4  }
0x8: {  	s23 =	simm.s32 $0x8400;
	s3 =	sadd.s32 $0x1000, s4;
	[dreg:$0x3] =	wrdreg s5  }
0x9: {  	s13 =	simm.s32 $0x1;
	s24 =	sadd.s32 $0x2000, s4;
	[dreg:$0x4] =	wrdreg s3  }
0xa: {  	s14 =	simm.s32 $0x2;
	s25 =	sadd.s32 $0x3000, s4;
	[dreg:$0x5] =	wrdreg s24  }
0xb: {  	s0 =	ssub.s32 $0x2, s0;
	s26 =	sadd.s32 $0x4000, s4;
	[dreg:$0x6] =	wrdreg s25  }
0xc: {  	s30 =	sshrl.u32 s0, $0x1;
	s28 =	sadd.s32 $0x5000, s4;
	[dreg:$0x7] =	wrdreg s26  }
0xd: {  	v2 =	vlaneseq.u32;
	s0 =	ssub.s32 s0, s30;
	s29 =	sadd.s32 $0x6000, s4;
	[dreg:$0x8] =	wrdreg s28  }
0xe: {  	vm0 =	vmmov $0xffff;
	v1 =	vshrl.u32 v2, $0x3;
	s31 =	sadd.s32 $0x7000, s4;
	s4 =	sadd.s32 $0x3200, s1;
	[dreg:$0x9] =	wrdreg s29  }
0xf: {  	v0 =	vand.u32 $0x7, v2;
	v2 =	vor.u32 $0x8, v2;
	v1 =	vmul.u32 $0x8, v1;
	[dreg:$0xa] =	wrdreg s31;
	s5 =	smax.u32 s0, $0x1;
	s24 =	simm.s32 $0x400  }
.LBB2_1:
0x10: {  	s15 =	rddreg [dreg:$0x3]  }
0x11: {  	[tilespmem:s2], [sflag:$0x3] =	stream.linear.gather [hbm4b:s15+s2], $0x400, $0x38;
	[tilespmem:$0x10400] =	vst v63  }
0x12: {  	_ =	swait.ge [sflag:s6], $0x400  }
0x13: {  	[sflag:s6] =	ssyncset.done $0x0  }
0x14: {  	[sflag:s6] =	ssyncadd.s32 $0xFFFFFC00  }
0x15: {  	v3 =	vld [tilespmem:$0x0];
	_ =	sdelay $0x4  }
0x16: {  	v4 =	vshll.u32 v3, $0x1  }
0x17: {  	v3 =	vand.u32 $0x7, v3;
	v4 =	vand.u32 $0xFFFFFFF0, v4  }
0x18: {  	v3 =	vor.u32 v3, v4  }
0x19: {  	v4 =	vperm.xlane v3, v0;
	_ =	sdelay $0x1  }
0x1a: {  	v3 =	vperm.xlane v3, v2;
	v4 =	vadd.s32 v1, v4;
	_ =	sdelay $0x1  }
0x1b: {  	v3 =	vadd.s32 v1, v3;
	_ =	sdelay $0x2  }
0x1c: {  	[tilespmem:s24], [sflag:$0x1] =	stream.indirect_vreg.gather [hbm4b:s4+s2], $0x80, v4, vm0, $0xb8;
	[tilespmem:$0x10400] =	vst v63  }
0x1d: {  	s0 =	simm.s32 $0xC00  }
0x1e: {  	[tilespmem:s0], [sflag:$0x1] =	stream.indirect_vreg.gather [hbm4b:s4+s2], $0x80, v3, vm0, $0xb8;
	[tilespmem:$0x10400] =	vst v63  }
0x1f: {  	v3 =	vld [tilespmem:$0x10];
	_ =	sdelay $0x4  }
0x20: {  	v57 =	vshll.u32 v3, $0x1  }
0x21: {  	v3 =	vand.u32 $0x7, v3;
	v4 =	vand.u32 $0xFFFFFFF0, v57  }
0x22: {  	v3 =	vor.u32 v3, v4  }
0x23: {  	v4 =	vperm.xlane v3, v0;
	_ =	sdelay $0x1  }
0x24: {  	v3 =	vperm.xlane v3, v2;
	v4 =	vadd.s32 v1, v4;
	_ =	sdelay $0x1  }
0x25: {  	v3 =	vadd.s32 v1, v3;
	_ =	sdelay $0x1  }
0x26: {  	s28 =	simm.s32 $0x1400  }
0x27: {  	[tilespmem:s28], [sflag:$0x1] =	stream.indirect_vreg.gather [hbm4b:s4+s2], $0x80, v4, vm0, $0xb8;
	[tilespmem:$0x10400] =	vst v63  }
0x28: {  	s29 =	simm.s32 $0x1C00  }
0x29: {  	[tilespmem:s29], [sflag:$0x1] =	stream.indirect_vreg.gather [hbm4b:s4+s2], $0x80, v3, vm0, $0xb8;
	[tilespmem:$0x10400] =	vst v63  }
0x2a: {  	v3 =	vld [tilespmem:$0x20];
	_ =	sdelay $0x4  }
0x2b: {  	v58 =	vshll.u32 v3, $0x1  }
0x2c: {  	v3 =	vand.u32 $0x7, v3;
	v4 =	vand.u32 $0xFFFFFFF0, v58  }
0x2d: {  	v3 =	vor.u32 v3, v4  }
0x2e: {  	v4 =	vperm.xlane v3, v0;
	_ =	sdelay $0x1  }
0x2f: {  	v3 =	vperm.xlane v3, v2;
	v4 =	vadd.s32 v1, v4;
	_ =	sdelay $0x1  }
0x30: {  	v3 =	vadd.s32 v1, v3;
	_ =	sdelay $0x1  }
0x31: {  	s30 =	simm.s32 $0x2400  }
0x32: {  	[tilespmem:s30], [sflag:$0x1] =	stream.indirect_vreg.gather [hbm4b:s4+s2], $0x80, v4, vm0, $0xb8;
	[tilespmem:$0x10400] =	vst v63  }
0x33: {  	s31 =	simm.s32 $0x2C00  }
0x34: {  	[tilespmem:s31], [sflag:$0x1] =	stream.indirect_vreg.gather [hbm4b:s4+s2], $0x80, v3, vm0, $0xb8;
	[tilespmem:$0x10400] =	vst v63  }
0x35: {  	v3 =	vld [tilespmem:$0x30];
	_ =	sdelay $0x4  }
0x36: {  	v59 =	vshll.u32 v3, $0x1  }
0x37: {  	v3 =	vand.u32 $0x7, v3;
	v4 =	vand.u32 $0xFFFFFFF0, v59  }
0x38: {  	v3 =	vor.u32 v3, v4  }
0x39: {  	v4 =	vperm.xlane v3, v0;
	_ =	sdelay $0x1  }
0x3a: {  	v3 =	vperm.xlane v3, v2;
	v4 =	vadd.s32 v1, v4;
	_ =	sdelay $0x1  }
0x3b: {  	v3 =	vadd.s32 v1, v3;
	_ =	sdelay $0x1  }
0x3c: {  	s1 =	simm.s32 $0x3400  }
0x3d: {  	[tilespmem:s1], [sflag:$0x1] =	stream.indirect_vreg.gather [hbm4b:s4+s2], $0x80, v4, vm0, $0xb8;
	[tilespmem:$0x10400] =	vst v63  }
0x3e: {  	s10 =	simm.s32 $0x3C00  }
0x3f: {  	[tilespmem:s10], [sflag:$0x1] =	stream.indirect_vreg.gather [hbm4b:s4+s2], $0x80, v3, vm0, $0xb8;
	[tilespmem:$0x10400] =	vst v63  }
0x40: {  	v3 =	vld [tilespmem:$0x40];
	_ =	sdelay $0x4  }
0x41: {  	v60 =	vshll.u32 v3, $0x1  }
0x42: {  	v3 =	vand.u32 $0x7, v3;
	v4 =	vand.u32 $0xFFFFFFF0, v60  }
0x43: {  	v3 =	vor.u32 v3, v4  }
0x44: {  	v4 =	vperm.xlane v3, v0;
	_ =	sdelay $0x1  }
0x45: {  	v3 =	vperm.xlane v3, v2;
	v4 =	vadd.s32 v1, v4;
	_ =	sdelay $0x1  }
0x46: {  	v3 =	vadd.s32 v1, v3;
	_ =	sdelay $0x1  }
0x47: {  	s11 =	simm.s32 $0x4400  }
0x48: {  	[tilespmem:s11], [sflag:$0x1] =	stream.indirect_vreg.gather [hbm4b:s4+s2], $0x80, v4, vm0, $0xb8;
	[tilespmem:$0x10400] =	vst v63  }
0x49: {  	s12 =	simm.s32 $0x4C00  }
0x4a: {  	[tilespmem:s12], [sflag:$0x1] =	stream.indirect_vreg.gather [hbm4b:s4+s2], $0x80, v3, vm0, $0xb8;
	[tilespmem:$0x10400] =	vst v63  }
0x4b: {  	v3 =	vld [tilespmem:$0x50];
	_ =	sdelay $0x4  }
0x4c: {  	v61 =	vshll.u32 v3, $0x1  }
0x4d: {  	v3 =	vand.u32 $0x7, v3;
	v4 =	vand.u32 $0xFFFFFFF0, v61  }
0x4e: {  	v3 =	vor.u32 v3, v4  }
0x4f: {  	v4 =	vperm.xlane v3, v0;
	_ =	sdelay $0x1  }
0x50: {  	v3 =	vperm.xlane v3, v2;
	v4 =	vadd.s32 v1, v4;
	_ =	sdelay $0x1  }
0x51: {  	v3 =	vadd.s32 v1, v3;
	_ =	sdelay $0x1  }
0x52: {  	s15 =	simm.s32 $0x5400  }
0x53: {  	[tilespmem:s15], [sflag:$0x1] =	stream.indirect_vreg.gather [hbm4b:s4+s2], $0x80, v4, vm0, $0xb8;
	[tilespmem:$0x10400] =	vst v63  }
0x54: {  	s16 =	simm.s32 $0x5C00  }
0x55: {  	[tilespmem:s16], [sflag:$0x1] =	stream.indirect_vreg.gather [hbm4b:s4+s2], $0x80, v3, vm0, $0xb8;
	[tilespmem:$0x10400] =	vst v63  }
0x56: {  	v3 =	vld [tilespmem:$0x60];
	_ =	sdelay $0x4  }
0x57: {  	v62 =	vshll.u32 v3, $0x1  }
0x58: {  	v3 =	vand.u32 $0x7, v3;
	v4 =	vand.u32 $0xFFFFFFF0, v62  }
0x59: {  	v3 =	vor.u32 v3, v4  }
0x5a: {  	v4 =	vperm.xlane v3, v0;
	_ =	sdelay $0x1  }
0x5b: {  	v3 =	vperm.xlane v3, v2;
	v4 =	vadd.s32 v1, v4;
	_ =	sdelay $0x1  }
0x5c: {  	v3 =	vadd.s32 v1, v3;
	_ =	sdelay $0x1  }
0x5d: {  	s17 =	simm.s32 $0x6400  }
0x5e: {  	[tilespmem:s17], [sflag:$0x1] =	stream.indirect_vreg.gather [hbm4b:s4+s2], $0x80, v4, vm0, $0xb8;
	[tilespmem:$0x10400] =	vst v63  }
0x5f: {  	s18 =	simm.s32 $0x6C00  }
0x60: {  	[tilespmem:s18], [sflag:$0x1] =	stream.indirect_vreg.gather [hbm4b:s4+s2], $0x80, v3, vm0, $0xb8;
	[tilespmem:$0x10400] =	vst v63  }
0x61: {  	v3 =	vld [tilespmem:$0x70];
	_ =	sdelay $0x4  }
0x62: {  	v63 =	vshll.u32 v3, $0x1  }
0x63: {  	v3 =	vand.u32 $0x7, v3;
	v4 =	vand.u32 $0xFFFFFFF0, v63  }
0x64: {  	v3 =	vor.u32 v3, v4  }
0x65: {  	v4 =	vperm.xlane v3, v0;
	_ =	sdelay $0x1  }
0x66: {  	v3 =	vperm.xlane v3, v2;
	v4 =	vadd.s32 v1, v4;
	_ =	sdelay $0x1  }
0x67: {  	v3 =	vadd.s32 v1, v3;
	_ =	sdelay $0x1  }
0x68: {  	s19 =	simm.s32 $0x7400  }
0x69: {  	[tilespmem:s19], [sflag:$0x1] =	stream.indirect_vreg.gather [hbm4b:s4+s2], $0x80, v4, vm0, $0xb8;
	[tilespmem:$0x10400] =	vst v63  }
0x6a: {  	s20 =	simm.s32 $0x7C00  }
0x6b: {  	[tilespmem:s20], [sflag:$0x1] =	stream.indirect_vreg.gather [hbm4b:s4+s2], $0x80, v3, vm0, $0xb8;
	[tilespmem:$0x10400] =	vst v63  }
0x6c: {  	v3 =	vld [tilespmem:$0x80];
	_ =	sdelay $0x4  }
0x6d: {  	v8 =	vshll.u32 v3, $0x1  }
0x6e: {  	v3 =	vand.u32 $0x7, v3;
	v4 =	vand.u32 $0xFFFFFFF0, v8  }
0x6f: {  	v3 =	vor.u32 v3, v4  }
0x70: {  	v4 =	vperm.xlane v3, v0;
	_ =	sdelay $0x1  }
0x71: {  	v3 =	vperm.xlane v3, v2;
	v4 =	vadd.s32 v1, v4;
	_ =	sdelay $0x1  }
0x72: {  	v3 =	vadd.s32 v1, v3;
	_ =	sdelay $0x2  }
0x73: {  	[tilespmem:s23], [sflag:$0x2] =	stream.indirect_vreg.gather [hbm4b:s4+s2], $0x80, v4, vm0, $0xb8;
	[tilespmem:$0x10400] =	vst v63  }
0x74: {  	s21 =	simm.s32 $0x8C00  }
0x75: {  	[tilespmem:s21], [sflag:$0x2] =	stream.indirect_vreg.gather [hbm4b:s4+s2], $0x80, v3, vm0, $0xb8;
	[tilespmem:$0x10400] =	vst v63  }
0x76: {  	v3 =	vld [tilespmem:$0x90];
	_ =	sdelay $0x4  }
0x77: {  	v9 =	vshll.u32 v3, $0x1  }
0x78: {  	v3 =	vand.u32 $0x7, v3;
	v4 =	vand.u32 $0xFFFFFFF0, v9  }
0x79: {  	v3 =	vor.u32 v3, v4  }
0x7a: {  	v4 =	vperm.xlane v3, v0;
	_ =	sdelay $0x1  }
0x7b: {  	v3 =	vperm.xlane v3, v2;
	v4 =	vadd.s32 v1, v4;
	_ =	sdelay $0x1  }
0x7c: {  	v3 =	vadd.s32 v1, v3;
	_ =	sdelay $0x1  }
0x7d: {  	s22 =	simm.s32 $0x9400  }
0x7e: {  	[tilespmem:s22], [sflag:$0x2] =	stream.indirect_vreg.gather [hbm4b:s4+s2], $0x80, v4, vm0, $0xb8;
	[tilespmem:$0x10400] =	vst v63  }
0x7f: {  	s25 =	simm.s32 $0x9C00  }
0x80: {  	[tilespmem:s25], [sflag:$0x2] =	stream.indirect_vreg.gather [hbm4b:s4+s2], $0x80, v3, vm0, $0xb8;
	[tilespmem:$0x10400] =	vst v63  }
0x81: {  	v3 =	vld [tilespmem:$0xA0];
	_ =	sdelay $0x4  }
0x82: {  	v10 =	vshll.u32 v3, $0x1  }
0x83: {  	v3 =	vand.u32 $0x7, v3;
	v4 =	vand.u32 $0xFFFFFFF0, v10  }
0x84: {  	v3 =	vor.u32 v3, v4  }
0x85: {  	v4 =	vperm.xlane v3, v0;
	_ =	sdelay $0x1  }
0x86: {  	v3 =	vperm.xlane v3, v2;
	v4 =	vadd.s32 v1, v4;
	_ =	sdelay $0x1  }
0x87: {  	v3 =	vadd.s32 v1, v3;
	_ =	sdelay $0x1  }
0x88: {  	s26 =	simm.s32 $0xA400  }
0x89: {  	[tilespmem:s26], [sflag:$0x2] =	stream.indirect_vreg.gather [hbm4b:s4+s2], $0x80, v4, vm0, $0xb8;
	[tilespmem:$0x10400] =	vst v63  }
0x8a: {  	s28 =	simm.s32 $0xAC00  }
0x8b: {  	[tilespmem:s28], [sflag:$0x2] =	stream.indirect_vreg.gather [hbm4b:s4+s2], $0x80, v3, vm0, $0xb8;
	[tilespmem:$0x10400] =	vst v63  }
0x8c: {  	v3 =	vld [tilespmem:$0xB0];
	_ =	sdelay $0x4  }
0x8d: {  	v11 =	vshll.u32 v3, $0x1  }
0x8e: {  	v3 =	vand.u32 $0x7, v3;
	v4 =	vand.u32 $0xFFFFFFF0, v11  }
0x8f: {  	v3 =	vor.u32 v3, v4  }
0x90: {  	v4 =	vperm.xlane v3, v0;
	_ =	sdelay $0x1  }
0x91: {  	v3 =	vperm.xlane v3, v2;
	v4 =	vadd.s32 v1, v4;
	_ =	sdelay $0x1  }
0x92: {  	v3 =	vadd.s32 v1, v3;
	_ =	sdelay $0x1  }
0x93: {  	s29 =	simm.s32 $0xB400  }
0x94: {  	[tilespmem:s29], [sflag:$0x2] =	stream.indirect_vreg.gather [hbm4b:s4+s2], $0x80, v4, vm0, $0xb8;
	[tilespmem:$0x10400] =	vst v63  }
0x95: {  	s30 =	simm.s32 $0xBC00  }
0x96: {  	[tilespmem:s30], [sflag:$0x2] =	stream.indirect_vreg.gather [hbm4b:s4+s2], $0x80, v3, vm0, $0xb8;
	[tilespmem:$0x10400] =	vst v63  }
0x97: {  	v3 =	vld [tilespmem:$0xC0];
	_ =	sdelay $0x4  }
0x98: {  	v12 =	vshll.u32 v3, $0x1  }
0x99: {  	v3 =	vand.u32 $0x7, v3;
	v4 =	vand.u32 $0xFFFFFFF0, v12  }
0x9a: {  	v3 =	vor.u32 v3, v4  }
0x9b: {  	v4 =	vperm.xlane v3, v0;
	_ =	sdelay $0x1  }
0x9c: {  	v3 =	vperm.xlane v3, v2;
	v4 =	vadd.s32 v1, v4;
	_ =	sdelay $0x1  }
0x9d: {  	v3 =	vadd.s32 v1, v3;
	_ =	sdelay $0x1  }
0x9e: {  	s31 =	simm.s32 $0xC400  }
0x9f: {  	[tilespmem:s31], [sflag:$0x2] =	stream.indirect_vreg.gather [hbm4b:s4+s2], $0x80, v4, vm0, $0xb8;
	[tilespmem:$0x10400] =	vst v63  }
0xa0: {  	s0 =	simm.s32 $0xCC00  }
0xa1: {  	[tilespmem:s0], [sflag:$0x2] =	stream.indirect_vreg.gather [hbm4b:s4+s2], $0x80, v3, vm0, $0xb8;
	[tilespmem:$0x10400] =	vst v63  }
0xa2: {  	v3 =	vld [tilespmem:$0xD0];
	_ =	sdelay $0x4  }
0xa3: {  	v13 =	vshll.u32 v3, $0x1  }
0xa4: {  	v3 =	vand.u32 $0x7, v3;
	v4 =	vand.u32 $0xFFFFFFF0, v13  }
0xa5: {  	v3 =	vor.u32 v3, v4  }
0xa6: {  	v4 =	vperm.xlane v3, v0;
	_ =	sdelay $0x1  }
0xa7: {  	v3 =	vperm.xlane v3, v2;
	v4 =	vadd.s32 v1, v4;
	_ =	sdelay $0x1  }
0xa8: {  	v3 =	vadd.s32 v1, v3;
	_ =	sdelay $0x1  }
0xa9: {  	s11 =	simm.s32 $0xD400  }
0xaa: {  	[tilespmem:s11], [sflag:$0x2] =	stream.indirect_vreg.gather [hbm4b:s4+s2], $0x80, v4, vm0, $0xb8;
	[tilespmem:$0x10400] =	vst v63  }
0xab: {  	s12 =	simm.s32 $0xDC00  }
0xac: {  	[tilespmem:s12], [sflag:$0x2] =	stream.indirect_vreg.gather [hbm4b:s4+s2], $0x80, v3, vm0, $0xb8;
	[tilespmem:$0x10400] =	vst v63  }
0xad: {  	v3 =	vld [tilespmem:$0xE0];
	_ =	sdelay $0x4  }
0xae: {  	v14 =	vshll.u32 v3, $0x1  }
0xaf: {  	v3 =	vand.u32 $0x7, v3;
	v4 =	vand.u32 $0xFFFFFFF0, v14  }
0xb0: {  	v3 =	vor.u32 v3, v4  }
0xb1: {  	v4 =	vperm.xlane v3, v0;
	_ =	sdelay $0x1  }
0xb2: {  	v3 =	vperm.xlane v3, v2;
	v4 =	vadd.s32 v1, v4;
	_ =	sdelay $0x1  }
0xb3: {  	v3 =	vadd.s32 v1, v3;
	_ =	sdelay $0x1  }
0xb4: {  	s17 =	simm.s32 $0xE400  }
0xb5: {  	[tilespmem:s17], [sflag:$0x2] =	stream.indirect_vreg.gather [hbm4b:s4+s2], $0x80, v4, vm0, $0xb8;
	[tilespmem:$0x10400] =	vst v63  }
0xb6: {  	s18 =	simm.s32 $0xEC00  }
0xb7: {  	[tilespmem:s18], [sflag:$0x2] =	stream.indirect_vreg.gather [hbm4b:s4+s2], $0x80, v3, vm0, $0xb8;
	[tilespmem:$0x10400] =	vst v63  }
0xb8: {  	v3 =	vld [tilespmem:$0xF0];
	_ =	sdelay $0x4  }
0xb9: {  	v15 =	vshll.u32 v3, $0x1  }
0xba: {  	v3 =	vand.u32 $0x7, v3;
	v4 =	vand.u32 $0xFFFFFFF0, v15  }
0xbb: {  	v3 =	vor.u32 v3, v4  }
0xbc: {  	v4 =	vperm.xlane v3, v0;
	_ =	sdelay $0x1  }
0xbd: {  	v3 =	vperm.xlane v3, v2;
	v4 =	vadd.s32 v1, v4;
	_ =	sdelay $0x1  }
0xbe: {  	v3 =	vadd.s32 v1, v3;
	_ =	sdelay $0x1  }
0xbf: {  	s20 =	simm.s32 $0xF400  }
0xc0: {  	[tilespmem:s20], [sflag:$0x2] =	stream.indirect_vreg.gather [hbm4b:s4+s2], $0x80, v4, vm0, $0xb8;
	[tilespmem:$0x10400] =	vst v63  }
0xc1: {  	s26 =	simm.s32 $0xFC00  }
0xc2: {  	[tilespmem:s26], [sflag:$0x2] =	stream.indirect_vreg.gather [hbm4b:s4+s2], $0x80, v3, vm0, $0xb8;
	[tilespmem:$0x10400] =	vst v63  }
0xc3: {  	_ =	swait.ge [sflag:s13], $0x8000  }
0xc4: {  	[sflag:s13] =	ssyncset.done $0x0  }
0xc5: {  	s0 =	rddreg [dreg:$0xb];
	[sflag:s13] =	ssyncadd.s32 $0xFFFF8000  }
0xc6: {  	[hbm4b:s0+s2] =	stream.linear.scatter [tilespmem:s24], [sflag:$0x3], $0x8000, $0x38;
	[tilespmem:$0x10400] =	vst v63  }
0xc7: {  	_ =	swait.ge [sflag:s6], $0x8000  }
0xc8: {  	[sflag:s6] =	ssyncset.done $0x0  }
0xc9: {  	[sflag:s6] =	ssyncadd.s32 $0xFFFF8000  }
0xca: {  	v3 =	vld [tilespmem:$0x100];
	_ =	sdelay $0x4  }
0xcb: {  	v16 =	vshll.u32 v3, $0x1  }
0xcc: {  	v3 =	vand.u32 $0x7, v3;
	v4 =	vand.u32 $0xFFFFFFF0, v16  }
0xcd: {  	v3 =	vor.u32 v3, v4  }
0xce: {  	v4 =	vperm.xlane v3, v0;
	_ =	sdelay $0x1  }
0xcf: {  	v3 =	vperm.xlane v3, v2;
	v4 =	vadd.s32 v1, v4;
	_ =	sdelay $0x1  }
0xd0: {  	v3 =	vadd.s32 v1, v3;
	_ =	sdelay $0x2  }
0xd1: {  	[tilespmem:s24], [sflag:$0x1] =	stream.indirect_vreg.gather [hbm4b:s4+s2], $0x80, v4, vm0, $0xb8;
	[tilespmem:$0x10400] =	vst v63  }
0xd2: {  	s8 =	simm.s32 $0xC00  }
0xd3: {  	[tilespmem:s8], [sflag:$0x1] =	stream.indirect_vreg.gather [hbm4b:s4+s2], $0x80, v3, vm0, $0xb8;
	[tilespmem:$0x10400] =	vst v63  }
0xd4: {  	v3 =	vld [tilespmem:$0x110];
	_ =	sdelay $0x4  }
0xd5: {  	v17 =	vshll.u32 v3, $0x1  }
0xd6: {  	v3 =	vand.u32 $0x7, v3;
	v4 =	vand.u32 $0xFFFFFFF0, v17  }
0xd7: {  	v3 =	vor.u32 v3, v4  }
0xd8: {  	v4 =	vperm.xlane v3, v0;
	_ =	sdelay $0x1  }
0xd9: {  	v3 =	vperm.xlane v3, v2;
	v4 =	vadd.s32 v1, v4;
	_ =	sdelay $0x1  }
0xda: {  	v3 =	vadd.s32 v1, v3;
	_ =	sdelay $0x1  }
0xdb: {  	s3 =	simm.s32 $0x1400  }
0xdc: {  	[tilespmem:s3], [sflag:$0x1] =	stream.indirect_vreg.gather [hbm4b:s4+s2], $0x80, v4, vm0, $0xb8;
	[tilespmem:$0x10400] =	vst v63  }
0xdd: {  	s20 =	simm.s32 $0x1C00  }
0xde: {  	[tilespmem:s20], [sflag:$0x1] =	stream.indirect_vreg.gather [hbm4b:s4+s2], $0x80, v3, vm0, $0xb8;
	[tilespmem:$0x10400] =	vst v63  }
0xdf: {  	v3 =	vld [tilespmem:$0x120];
	_ =	sdelay $0x4  }
0xe0: {  	v18 =	vshll.u32 v3, $0x1  }
0xe1: {  	v3 =	vand.u32 $0x7, v3;
	v4 =	vand.u32 $0xFFFFFFF0, v18  }
0xe2: {  	v3 =	vor.u32 v3, v4  }
0xe3: {  	v4 =	vperm.xlane v3, v0;
	_ =	sdelay $0x1  }
0xe4: {  	v3 =	vperm.xlane v3, v2;
	v4 =	vadd.s32 v1, v4;
	_ =	sdelay $0x1  }
0xe5: {  	v3 =	vadd.s32 v1, v3;
	_ =	sdelay $0x1  }
0xe6: {  	s7 =	simm.s32 $0x2400  }
0xe7: {  	[tilespmem:s7], [sflag:$0x1] =	stream.indirect_vreg.gather [hbm4b:s4+s2], $0x80, v4, vm0, $0xb8;
	[tilespmem:$0x10400] =	vst v63  }
0xe8: {  	s9 =	simm.s32 $0x2C00  }
0xe9: {  	[tilespmem:s9], [sflag:$0x1] =	stream.indirect_vreg.gather [hbm4b:s4+s2], $0x80, v3, vm0, $0xb8;
	[tilespmem:$0x10400] =	vst v63  }
0xea: {  	v3 =	vld [tilespmem:$0x130];
	_ =	sdelay $0x4  }
0xeb: {  	v19 =	vshll.u32 v3, $0x1  }
0xec: {  	v3 =	vand.u32 $0x7, v3;
	v4 =	vand.u32 $0xFFFFFFF0, v19  }
0xed: {  	v3 =	vor.u32 v3, v4  }
0xee: {  	v4 =	vperm.xlane v3, v0;
	_ =	sdelay $0x1  }
0xef: {  	v3 =	vperm.xlane v3, v2;
	v4 =	vadd.s32 v1, v4;
	_ =	sdelay $0x1  }
0xf0: {  	v3 =	vadd.s32 v1, v3;
	_ =	sdelay $0x1  }
0xf1: {  	s8 =	simm.s32 $0x3400  }
0xf2: {  	[tilespmem:s8], [sflag:$0x1] =	stream.indirect_vreg.gather [hbm4b:s4+s2], $0x80, v4, vm0, $0xb8;
	[tilespmem:$0x10400] =	vst v63  }
0xf3: {  	s11 =	simm.s32 $0x3C00  }
0xf4: {  	[tilespmem:s11], [sflag:$0x1] =	stream.indirect_vreg.gather [hbm4b:s4+s2], $0x80, v3, vm0, $0xb8;
	[tilespmem:$0x10400] =	vst v63  }
0xf5: {  	v3 =	vld [tilespmem:$0x140];
	_ =	sdelay $0x4  }
0xf6: {  	v20 =	vshll.u32 v3, $0x1  }
0xf7: {  	v3 =	vand.u32 $0x7, v3;
	v4 =	vand.u32 $0xFFFFFFF0, v20  }
0xf8: {  	v3 =	vor.u32 v3, v4  }
0xf9: {  	v4 =	vperm.xlane v3, v0;
	_ =	sdelay $0x1  }
0xfa: {  	v3 =	vperm.xlane v3, v2;
	v4 =	vadd.s32 v1, v4;
	_ =	sdelay $0x1  }
0xfb: {  	v3 =	vadd.s32 v1, v3;
	_ =	sdelay $0x1  }
0xfc: {  	s9 =	simm.s32 $0x4400  }
0xfd: {  	[tilespmem:s9], [sflag:$0x1] =	stream.indirect_vreg.gather [hbm4b:s4+s2], $0x80, v4, vm0, $0xb8;
	[tilespmem:$0x10400] =	vst v63  }
0xfe: {  	s12 =	simm.s32 $0x4C00  }
0xff: {  	[tilespmem:s12], [sflag:$0x1] =	stream.indirect_vreg.gather [hbm4b:s4+s2], $0x80, v3, vm0, $0xb8;
	[tilespmem:$0x10400] =	vst v63  }
0x100: {  	v3 =	vld [tilespmem:$0x150];
	_ =	sdelay $0x4  }
0x101: {  	v21 =	vshll.u32 v3, $0x1  }
0x102: {  	v3 =	vand.u32 $0x7, v3;
	v4 =	vand.u32 $0xFFFFFFF0, v21  }
0x103: {  	v3 =	vor.u32 v3, v4  }
0x104: {  	v4 =	vperm.xlane v3, v0;
	_ =	sdelay $0x1  }
0x105: {  	v3 =	vperm.xlane v3, v2;
	v4 =	vadd.s32 v1, v4;
	_ =	sdelay $0x1  }
0x106: {  	v3 =	vadd.s32 v1, v3;
	_ =	sdelay $0x1  }
0x107: {  	s10 =	simm.s32 $0x5400  }
0x108: {  	[tilespmem:s10], [sflag:$0x1] =	stream.indirect_vreg.gather [hbm4b:s4+s2], $0x80, v4, vm0, $0xb8;
	[tilespmem:$0x10400] =	vst v63  }
0x109: {  	s16 =	simm.s32 $0x5C00  }
0x10a: {  	[tilespmem:s16], [sflag:$0x1] =	stream.indirect_vreg.gather [hbm4b:s4+s2], $0x80, v3, vm0, $0xb8;
	[tilespmem:$0x10400] =	vst v63  }
0x10b: {  	v3 =	vld [tilespmem:$0x160];
	_ =	sdelay $0x4  }
0x10c: {  	v22 =	vshll.u32 v3, $0x1  }
0x10d: {  	v3 =	vand.u32 $0x7, v3;
	v4 =	vand.u32 $0xFFFFFFF0, v22  }
0x10e: {  	v3 =	vor.u32 v3, v4  }
0x10f: {  	v4 =	vperm.xlane v3, v0;
	_ =	sdelay $0x1  }
0x110: {  	v3 =	vperm.xlane v3, v2;
	v4 =	vadd.s32 v1, v4;
	_ =	sdelay $0x1  }
0x111: {  	v3 =	vadd.s32 v1, v3;
	_ =	sdelay $0x1  }
0x112: {  	s16 =	simm.s32 $0x6400  }
0x113: {  	[tilespmem:s16], [sflag:$0x1] =	stream.indirect_vreg.gather [hbm4b:s4+s2], $0x80, v4, vm0, $0xb8;
	[tilespmem:$0x10400] =	vst v63  }
0x114: {  	s17 =	simm.s32 $0x6C00  }
0x115: {  	[tilespmem:s17], [sflag:$0x1] =	stream.indirect_vreg.gather [hbm4b:s4+s2], $0x80, v3, vm0, $0xb8;
	[tilespmem:$0x10400] =	vst v63  }
0x116: {  	v3 =	vld [tilespmem:$0x170];
	_ =	sdelay $0x4  }
0x117: {  	v23 =	vshll.u32 v3, $0x1  }
0x118: {  	v3 =	vand.u32 $0x7, v3;
	v4 =	vand.u32 $0xFFFFFFF0, v23  }
0x119: {  	v3 =	vor.u32 v3, v4  }
0x11a: {  	v4 =	vperm.xlane v3, v0;
	_ =	sdelay $0x1  }
0x11b: {  	v3 =	vperm.xlane v3, v2;
	v4 =	vadd.s32 v1, v4;
	_ =	sdelay $0x1  }
0x11c: {  	v3 =	vadd.s32 v1, v3;
	_ =	sdelay $0x1  }
0x11d: {  	s18 =	simm.s32 $0x7400  }
0x11e: {  	[tilespmem:s18], [sflag:$0x1] =	stream.indirect_vreg.gather [hbm4b:s4+s2], $0x80, v4, vm0, $0xb8;
	[tilespmem:$0x10400] =	vst v63  }
0x11f: {  	s10 =	simm.s32 $0x7C00  }
0x120: {  	[tilespmem:s10], [sflag:$0x1] =	stream.indirect_vreg.gather [hbm4b:s4+s2], $0x80, v3, vm0, $0xb8;
	[tilespmem:$0x10400] =	vst v63  }
0x121: {  	_ =	swait.ge [sflag:s14], $0x8000  }
0x122: {  	[sflag:s14] =	ssyncset.done $0x0  }
0x123: {  	s7 =	rddreg [dreg:$0x4];
	[sflag:s14] =	ssyncadd.s32 $0xFFFF8000  }
0x124: {  	[hbm4b:s7+s2] =	stream.linear.scatter [tilespmem:s23], [sflag:$0x3], $0x8000, $0x38;
	[tilespmem:$0x10400] =	vst v63  }
0x125: {  	_ =	swait.ge [sflag:s6], $0x8000  }
0x126: {  	[sflag:s6] =	ssyncset.done $0x0  }
0x127: {  	[sflag:s6] =	ssyncadd.s32 $0xFFFF8000  }
0x128: {  	v3 =	vld [tilespmem:$0x180];
	_ =	sdelay $0x4  }
0x129: {  	v24 =	vshll.u32 v3, $0x1  }
0x12a: {  	v3 =	vand.u32 $0x7, v3;
	v4 =	vand.u32 $0xFFFFFFF0, v24  }
0x12b: {  	v3 =	vor.u32 v3, v4  }
0x12c: {  	v4 =	vperm.xlane v3, v0;
	_ =	sdelay $0x1  }
0x12d: {  	v3 =	vperm.xlane v3, v2;
	v4 =	vadd.s32 v1, v4;
	_ =	sdelay $0x1  }
0x12e: {  	v3 =	vadd.s32 v1, v3;
	_ =	sdelay $0x2  }
0x12f: {  	[tilespmem:s23], [sflag:$0x2] =	stream.indirect_vreg.gather [hbm4b:s4+s2], $0x80, v4, vm0, $0xb8;
	[tilespmem:$0x10400] =	vst v63  }
0x130: {  	s1 =	simm.s32 $0x8C00  }
0x131: {  	[tilespmem:s1], [sflag:$0x2] =	stream.indirect_vreg.gather [hbm4b:s4+s2], $0x80, v3, vm0, $0xb8;
	[tilespmem:$0x10400] =	vst v63  }
0x132: {  	v3 =	vld [tilespmem:$0x190];
	_ =	sdelay $0x4  }
0x133: {  	v25 =	vshll.u32 v3, $0x1  }
0x134: {  	v3 =	vand.u32 $0x7, v3;
	v4 =	vand.u32 $0xFFFFFFF0, v25  }
0x135: {  	v3 =	vor.u32 v3, v4  }
0x136: {  	v4 =	vperm.xlane v3, v0;
	_ =	sdelay $0x1  }
0x137: {  	v3 =	vperm.xlane v3, v2;
	v4 =	vadd.s32 v1, v4;
	_ =	sdelay $0x1  }
0x138: {  	v3 =	vadd.s32 v1, v3;
	_ =	sdelay $0x1  }
0x139: {  	s0 =	simm.s32 $0x9400  }
0x13a: {  	[tilespmem:s0], [sflag:$0x2] =	stream.indirect_vreg.gather [hbm4b:s4+s2], $0x80, v4, vm0, $0xb8;
	[tilespmem:$0x10400] =	vst v63  }
0x13b: {  	s3 =	simm.s32 $0x9C00  }
0x13c: {  	[tilespmem:s3], [sflag:$0x2] =	stream.indirect_vreg.gather [hbm4b:s4+s2], $0x80, v3, vm0, $0xb8;
	[tilespmem:$0x10400] =	vst v63  }
0x13d: {  	v3 =	vld [tilespmem:$0x1A0];
	_ =	sdelay $0x4  }
0x13e: {  	v26 =	vshll.u32 v3, $0x1  }
0x13f: {  	v3 =	vand.u32 $0x7, v3;
	v4 =	vand.u32 $0xFFFFFFF0, v26  }
0x140: {  	v3 =	vor.u32 v3, v4  }
0x141: {  	v4 =	vperm.xlane v3, v0;
	_ =	sdelay $0x1  }
0x142: {  	v3 =	vperm.xlane v3, v2;
	v4 =	vadd.s32 v1, v4;
	_ =	sdelay $0x1  }
0x143: {  	v3 =	vadd.s32 v1, v3;
	_ =	sdelay $0x1  }
0x144: {  	s1 =	simm.s32 $0xA400  }
0x145: {  	[tilespmem:s1], [sflag:$0x2] =	stream.indirect_vreg.gather [hbm4b:s4+s2], $0x80, v4, vm0, $0xb8;
	[tilespmem:$0x10400] =	vst v63  }
0x146: {  	s7 =	simm.s32 $0xAC00  }
0x147: {  	[tilespmem:s7], [sflag:$0x2] =	stream.indirect_vreg.gather [hbm4b:s4+s2], $0x80, v3, vm0, $0xb8;
	[tilespmem:$0x10400] =	vst v63  }
0x148: {  	v3 =	vld [tilespmem:$0x1B0];
	_ =	sdelay $0x4  }
0x149: {  	v27 =	vshll.u32 v3, $0x1  }
0x14a: {  	v3 =	vand.u32 $0x7, v3;
	v4 =	vand.u32 $0xFFFFFFF0, v27  }
0x14b: {  	v3 =	vor.u32 v3, v4  }
0x14c: {  	v4 =	vperm.xlane v3, v0;
	_ =	sdelay $0x1  }
0x14d: {  	v3 =	vperm.xlane v3, v2;
	v4 =	vadd.s32 v1, v4;
	_ =	sdelay $0x1  }
0x14e: {  	v3 =	vadd.s32 v1, v3;
	_ =	sdelay $0x1  }
0x14f: {  	s28 =	simm.s32 $0xB400  }
0x150: {  	[tilespmem:s28], [sflag:$0x2] =	stream.indirect_vreg.gather [hbm4b:s4+s2], $0x80, v4, vm0, $0xb8;
	[tilespmem:$0x10400] =	vst v63  }
0x151: {  	s21 =	simm.s32 $0xBC00  }
0x152: {  	[tilespmem:s21], [sflag:$0x2] =	stream.indirect_vreg.gather [hbm4b:s4+s2], $0x80, v3, vm0, $0xb8;
	[tilespmem:$0x10400] =	vst v63  }
0x153: {  	v3 =	vld [tilespmem:$0x1C0];
	_ =	sdelay $0x4  }
0x154: {  	v28 =	vshll.u32 v3, $0x1  }
0x155: {  	v3 =	vand.u32 $0x7, v3;
	v4 =	vand.u32 $0xFFFFFFF0, v28  }
0x156: {  	v3 =	vor.u32 v3, v4  }
0x157: {  	v4 =	vperm.xlane v3, v0;
	_ =	sdelay $0x1  }
0x158: {  	v3 =	vperm.xlane v3, v2;
	v4 =	vadd.s32 v1, v4;
	_ =	sdelay $0x1  }
0x159: {  	v3 =	vadd.s32 v1, v3;
	_ =	sdelay $0x1  }
0x15a: {  	s31 =	simm.s32 $0xC400  }
0x15b: {  	[tilespmem:s31], [sflag:$0x2] =	stream.indirect_vreg.gather [hbm4b:s4+s2], $0x80, v4, vm0, $0xb8;
	[tilespmem:$0x10400] =	vst v63  }
0x15c: {  	s19 =	simm.s32 $0xCC00  }
0x15d: {  	[tilespmem:s19], [sflag:$0x2] =	stream.indirect_vreg.gather [hbm4b:s4+s2], $0x80, v3, vm0, $0xb8;
	[tilespmem:$0x10400] =	vst v63  }
0x15e: {  	v3 =	vld [tilespmem:$0x1D0];
	_ =	sdelay $0x4  }
0x15f: {  	v29 =	vshll.u32 v3, $0x1  }
0x160: {  	v3 =	vand.u32 $0x7, v3;
	v4 =	vand.u32 $0xFFFFFFF0, v29  }
0x161: {  	v3 =	vor.u32 v3, v4  }
0x162: {  	v4 =	vperm.xlane v3, v0;
	_ =	sdelay $0x1  }
0x163: {  	v3 =	vperm.xlane v3, v2;
	v4 =	vadd.s32 v1, v4;
	_ =	sdelay $0x1  }
0x164: {  	v3 =	vadd.s32 v1, v3;
	_ =	sdelay $0x1  }
0x165: {  	s31 =	simm.s32 $0xD400  }
0x166: {  	[tilespmem:s31], [sflag:$0x2] =	stream.indirect_vreg.gather [hbm4b:s4+s2], $0x80, v4, vm0, $0xb8;
	[tilespmem:$0x10400] =	vst v63  }
0x167: {  	s22 =	simm.s32 $0xDC00  }
0x168: {  	[tilespmem:s22], [sflag:$0x2] =	stream.indirect_vreg.gather [hbm4b:s4+s2], $0x80, v3, vm0, $0xb8;
	[tilespmem:$0x10400] =	vst v63  }
0x169: {  	v3 =	vld [tilespmem:$0x1E0];
	_ =	sdelay $0x4  }
0x16a: {  	v30 =	vshll.u32 v3, $0x1  }
0x16b: {  	v3 =	vand.u32 $0x7, v3;
	v4 =	vand.u32 $0xFFFFFFF0, v30  }
0x16c: {  	v3 =	vor.u32 v3, v4  }
0x16d: {  	v4 =	vperm.xlane v3, v0;
	_ =	sdelay $0x1  }
0x16e: {  	v3 =	vperm.xlane v3, v2;
	v4 =	vadd.s32 v1, v4;
	_ =	sdelay $0x1  }
0x16f: {  	v3 =	vadd.s32 v1, v3;
	_ =	sdelay $0x1  }
0x170: {  	s29 =	simm.s32 $0xE400  }
0x171: {  	[tilespmem:s29], [sflag:$0x2] =	stream.indirect_vreg.gather [hbm4b:s4+s2], $0x80, v4, vm0, $0xb8;
	[tilespmem:$0x10400] =	vst v63  }
0x172: {  	s25 =	simm.s32 $0xEC00  }
0x173: {  	[tilespmem:s25], [sflag:$0x2] =	stream.indirect_vreg.gather [hbm4b:s4+s2], $0x80, v3, vm0, $0xb8;
	[tilespmem:$0x10400] =	vst v63  }
0x174: {  	v3 =	vld [tilespmem:$0x1F0];
	_ =	sdelay $0x4  }
0x175: {  	v31 =	vshll.u32 v3, $0x1  }
0x176: {  	v3 =	vand.u32 $0x7, v3;
	v4 =	vand.u32 $0xFFFFFFF0, v31  }
0x177: {  	v3 =	vor.u32 v3, v4  }
0x178: {  	v4 =	vperm.xlane v3, v0;
	_ =	sdelay $0x1  }
0x179: {  	v3 =	vperm.xlane v3, v2;
	v4 =	vadd.s32 v1, v4;
	_ =	sdelay $0x1  }
0x17a: {  	v3 =	vadd.s32 v1, v3;
	_ =	sdelay $0x1  }
0x17b: {  	s30 =	simm.s32 $0xF400  }
0x17c: {  	[tilespmem:s30], [sflag:$0x2] =	stream.indirect_vreg.gather [hbm4b:s4+s2], $0x80, v4, vm0, $0xb8;
	[tilespmem:$0x10400] =	vst v63  }
0x17d: {  	s26 =	simm.s32 $0xFC00  }
0x17e: {  	[tilespmem:s26], [sflag:$0x2] =	stream.indirect_vreg.gather [hbm4b:s4+s2], $0x80, v3, vm0, $0xb8;
	[tilespmem:$0x10400] =	vst v63  }
0x17f: {  	_ =	swait.ge [sflag:s13], $0x8000  }
0x180: {  	[sflag:s13] =	ssyncset.done $0x0  }
0x181: {  	s29 =	rddreg [dreg:$0x5];
	[sflag:s13] =	ssyncadd.s32 $0xFFFF8000  }
0x182: {  	[hbm4b:s29+s2] =	stream.linear.scatter [tilespmem:s24], [sflag:$0x3], $0x8000, $0x38;
	[tilespmem:$0x10400] =	vst v63  }
0x183: {  	_ =	swait.ge [sflag:s6], $0x8000  }
0x184: {  	[sflag:s6] =	ssyncset.done $0x0  }
0x185: {  	[sflag:s6] =	ssyncadd.s32 $0xFFFF8000  }
0x186: {  	v3 =	vld [tilespmem:$0x200];
	_ =	sdelay $0x4  }
0x187: {  	v32 =	vshll.u32 v3, $0x1  }
0x188: {  	v3 =	vand.u32 $0x7, v3;
	v4 =	vand.u32 $0xFFFFFFF0, v32  }
0x189: {  	v3 =	vor.u32 v3, v4  }
0x18a: {  	v4 =	vperm.xlane v3, v0;
	_ =	sdelay $0x1  }
0x18b: {  	v3 =	vperm.xlane v3, v2;
	v4 =	vadd.s32 v1, v4;
	_ =	sdelay $0x1  }
0x18c: {  	v3 =	vadd.s32 v1, v3;
	_ =	sdelay $0x2  }
0x18d: {  	[tilespmem:s24], [sflag:$0x1] =	stream.indirect_vreg.gather [hbm4b:s4+s2], $0x80, v4, vm0, $0xb8;
	[tilespmem:$0x10400] =	vst v63  }
0x18e: {  	s25 =	simm.s32 $0xC00  }
0x18f: {  	[tilespmem:s25], [sflag:$0x1] =	stream.indirect_vreg.gather [hbm4b:s4+s2], $0x80, v3, vm0, $0xb8;
	[tilespmem:$0x10400] =	vst v63  }
0x190: {  	v3 =	vld [tilespmem:$0x210];
	_ =	sdelay $0x4  }
0x191: {  	v33 =	vshll.u32 v3, $0x1  }
0x192: {  	v3 =	vand.u32 $0x7, v3;
	v4 =	vand.u32 $0xFFFFFFF0, v33  }
0x193: {  	v3 =	vor.u32 v3, v4  }
0x194: {  	v4 =	vperm.xlane v3, v0;
	_ =	sdelay $0x1  }
0x195: {  	v3 =	vperm.xlane v3, v2;
	v4 =	vadd.s32 v1, v4;
	_ =	sdelay $0x1  }
0x196: {  	v3 =	vadd.s32 v1, v3;
	_ =	sdelay $0x1  }
0x197: {  	s26 =	simm.s32 $0x1400  }
0x198: {  	[tilespmem:s26], [sflag:$0x1] =	stream.indirect_vreg.gather [hbm4b:s4+s2], $0x80, v4, vm0, $0xb8;
	[tilespmem:$0x10400] =	vst v63  }
0x199: {  	_ = 	snop  }
0x19a: {  	[tilespmem:s20], [sflag:$0x1] =	stream.indirect_vreg.gather [hbm4b:s4+s2], $0x80, v3, vm0, $0xb8;
	[tilespmem:$0x10400] =	vst v63  }
0x19b: {  	v3 =	vld [tilespmem:$0x220];
	_ =	sdelay $0x4  }
0x19c: {  	v34 =	vshll.u32 v3, $0x1  }
0x19d: {  	v3 =	vand.u32 $0x7, v3;
	v4 =	vand.u32 $0xFFFFFFF0, v34  }
0x19e: {  	v3 =	vor.u32 v3, v4  }
0x19f: {  	v4 =	vperm.xlane v3, v0;
	_ =	sdelay $0x1  }
0x1a0: {  	v3 =	vperm.xlane v3, v2;
	v4 =	vadd.s32 v1, v4;
	_ =	sdelay $0x1  }
0x1a1: {  	v3 =	vadd.s32 v1, v3;
	_ =	sdelay $0x1  }
0x1a2: {  	s29 =	simm.s32 $0x2400  }
0x1a3: {  	[tilespmem:s29], [sflag:$0x1] =	stream.indirect_vreg.gather [hbm4b:s4+s2], $0x80, v4, vm0, $0xb8;
	[tilespmem:$0x10400] =	vst v63  }
0x1a4: {  	s25 =	simm.s32 $0x2C00  }
0x1a5: {  	[tilespmem:s25], [sflag:$0x1] =	stream.indirect_vreg.gather [hbm4b:s4+s2], $0x80, v3, vm0, $0xb8;
	[tilespmem:$0x10400] =	vst v63  }
0x1a6: {  	v3 =	vld [tilespmem:$0x230];
	_ =	sdelay $0x4  }
0x1a7: {  	v35 =	vshll.u32 v3, $0x1  }
0x1a8: {  	v3 =	vand.u32 $0x7, v3;
	v4 =	vand.u32 $0xFFFFFFF0, v35  }
0x1a9: {  	v3 =	vor.u32 v3, v4  }
0x1aa: {  	v4 =	vperm.xlane v3, v0;
	_ =	sdelay $0x1  }
0x1ab: {  	v3 =	vperm.xlane v3, v2;
	v4 =	vadd.s32 v1, v4;
	_ =	sdelay $0x1  }
0x1ac: {  	v3 =	vadd.s32 v1, v3;
	_ =	sdelay $0x2  }
0x1ad: {  	[tilespmem:s8], [sflag:$0x1] =	stream.indirect_vreg.gather [hbm4b:s4+s2], $0x80, v4, vm0, $0xb8;
	[tilespmem:$0x10400] =	vst v63  }
0x1ae: {  	_ = 	snop  }
0x1af: {  	[tilespmem:s11], [sflag:$0x1] =	stream.indirect_vreg.gather [hbm4b:s4+s2], $0x80, v3, vm0, $0xb8;
	[tilespmem:$0x10400] =	vst v63  }
0x1b0: {  	v3 =	vld [tilespmem:$0x240];
	_ =	sdelay $0x4  }
0x1b1: {  	v36 =	vshll.u32 v3, $0x1  }
0x1b2: {  	v3 =	vand.u32 $0x7, v3;
	v4 =	vand.u32 $0xFFFFFFF0, v36  }
0x1b3: {  	v3 =	vor.u32 v3, v4  }
0x1b4: {  	v4 =	vperm.xlane v3, v0;
	_ =	sdelay $0x1  }
0x1b5: {  	v3 =	vperm.xlane v3, v2;
	v4 =	vadd.s32 v1, v4;
	_ =	sdelay $0x1  }
0x1b6: {  	v3 =	vadd.s32 v1, v3;
	_ =	sdelay $0x2  }
0x1b7: {  	[tilespmem:s9], [sflag:$0x1] =	stream.indirect_vreg.gather [hbm4b:s4+s2], $0x80, v4, vm0, $0xb8;
	[tilespmem:$0x10400] =	vst v63  }
0x1b8: {  	_ = 	snop  }
0x1b9: {  	[tilespmem:s12], [sflag:$0x1] =	stream.indirect_vreg.gather [hbm4b:s4+s2], $0x80, v3, vm0, $0xb8;
	[tilespmem:$0x10400] =	vst v63  }
0x1ba: {  	v3 =	vld [tilespmem:$0x250];
	_ =	sdelay $0x4  }
0x1bb: {  	v37 =	vshll.u32 v3, $0x1  }
0x1bc: {  	v3 =	vand.u32 $0x7, v3;
	v4 =	vand.u32 $0xFFFFFFF0, v37  }
0x1bd: {  	v3 =	vor.u32 v3, v4  }
0x1be: {  	v4 =	vperm.xlane v3, v0;
	_ =	sdelay $0x1  }
0x1bf: {  	v3 =	vperm.xlane v3, v2;
	v4 =	vadd.s32 v1, v4;
	_ =	sdelay $0x1  }
0x1c0: {  	v3 =	vadd.s32 v1, v3;
	_ =	sdelay $0x1  }
0x1c1: {  	s26 =	simm.s32 $0x5400  }
0x1c2: {  	[tilespmem:s26], [sflag:$0x1] =	stream.indirect_vreg.gather [hbm4b:s4+s2], $0x80, v4, vm0, $0xb8;
	[tilespmem:$0x10400] =	vst v63  }
0x1c3: {  	s29 =	simm.s32 $0x5C00  }
0x1c4: {  	[tilespmem:s29], [sflag:$0x1] =	stream.indirect_vreg.gather [hbm4b:s4+s2], $0x80, v3, vm0, $0xb8;
	[tilespmem:$0x10400] =	vst v63  }
0x1c5: {  	v3 =	vld [tilespmem:$0x260];
	_ =	sdelay $0x4  }
0x1c6: {  	v38 =	vshll.u32 v3, $0x1  }
0x1c7: {  	v3 =	vand.u32 $0x7, v3;
	v4 =	vand.u32 $0xFFFFFFF0, v38  }
0x1c8: {  	v3 =	vor.u32 v3, v4  }
0x1c9: {  	v4 =	vperm.xlane v3, v0;
	_ =	sdelay $0x1  }
0x1ca: {  	v3 =	vperm.xlane v3, v2;
	v4 =	vadd.s32 v1, v4;
	_ =	sdelay $0x1  }
0x1cb: {  	v3 =	vadd.s32 v1, v3;
	_ =	sdelay $0x2  }
0x1cc: {  	[tilespmem:s16], [sflag:$0x1] =	stream.indirect_vreg.gather [hbm4b:s4+s2], $0x80, v4, vm0, $0xb8;
	[tilespmem:$0x10400] =	vst v63  }
0x1cd: {  	_ = 	snop  }
0x1ce: {  	[tilespmem:s17], [sflag:$0x1] =	stream.indirect_vreg.gather [hbm4b:s4+s2], $0x80, v3, vm0, $0xb8;
	[tilespmem:$0x10400] =	vst v63  }
0x1cf: {  	v3 =	vld [tilespmem:$0x270];
	_ =	sdelay $0x4  }
0x1d0: {  	v39 =	vshll.u32 v3, $0x1  }
0x1d1: {  	v3 =	vand.u32 $0x7, v3;
	v4 =	vand.u32 $0xFFFFFFF0, v39  }
0x1d2: {  	v3 =	vor.u32 v3, v4  }
0x1d3: {  	v4 =	vperm.xlane v3, v0;
	_ =	sdelay $0x1  }
0x1d4: {  	v3 =	vperm.xlane v3, v2;
	v4 =	vadd.s32 v1, v4;
	_ =	sdelay $0x1  }
0x1d5: {  	v3 =	vadd.s32 v1, v3;
	_ =	sdelay $0x2  }
0x1d6: {  	[tilespmem:s18], [sflag:$0x1] =	stream.indirect_vreg.gather [hbm4b:s4+s2], $0x80, v4, vm0, $0xb8;
	[tilespmem:$0x10400] =	vst v63  }
0x1d7: {  	_ = 	snop  }
0x1d8: {  	[tilespmem:s10], [sflag:$0x1] =	stream.indirect_vreg.gather [hbm4b:s4+s2], $0x80, v3, vm0, $0xb8;
	[tilespmem:$0x10400] =	vst v63  }
0x1d9: {  	_ =	swait.ge [sflag:s14], $0x8000  }
0x1da: {  	[sflag:s14] =	ssyncset.done $0x0  }
0x1db: {  	s25 =	rddreg [dreg:$0x6];
	[sflag:s14] =	ssyncadd.s32 $0xFFFF8000  }
0x1dc: {  	[hbm4b:s25+s2] =	stream.linear.scatter [tilespmem:s23], [sflag:$0x3], $0x8000, $0x38;
	[tilespmem:$0x10400] =	vst v63  }
0x1dd: {  	_ =	swait.ge [sflag:s6], $0x8000  }
0x1de: {  	[sflag:s6] =	ssyncset.done $0x0  }
0x1df: {  	[sflag:s6] =	ssyncadd.s32 $0xFFFF8000  }
0x1e0: {  	v3 =	vld [tilespmem:$0x280];
	_ =	sdelay $0x4  }
0x1e1: {  	v40 =	vshll.u32 v3, $0x1  }
0x1e2: {  	v3 =	vand.u32 $0x7, v3;
	v4 =	vand.u32 $0xFFFFFFF0, v40  }
0x1e3: {  	v3 =	vor.u32 v3, v4  }
0x1e4: {  	v4 =	vperm.xlane v3, v0;
	_ =	sdelay $0x1  }
0x1e5: {  	v3 =	vperm.xlane v3, v2;
	v4 =	vadd.s32 v1, v4;
	_ =	sdelay $0x1  }
0x1e6: {  	v3 =	vadd.s32 v1, v3;
	_ =	sdelay $0x2  }
0x1e7: {  	[tilespmem:s23], [sflag:$0x2] =	stream.indirect_vreg.gather [hbm4b:s4+s2], $0x80, v4, vm0, $0xb8;
	[tilespmem:$0x10400] =	vst v63  }
0x1e8: {  	s26 =	simm.s32 $0x8C00  }
0x1e9: {  	[tilespmem:s26], [sflag:$0x2] =	stream.indirect_vreg.gather [hbm4b:s4+s2], $0x80, v3, vm0, $0xb8;
	[tilespmem:$0x10400] =	vst v63  }
0x1ea: {  	v3 =	vld [tilespmem:$0x290];
	_ =	sdelay $0x4  }
0x1eb: {  	v41 =	vshll.u32 v3, $0x1  }
0x1ec: {  	v3 =	vand.u32 $0x7, v3;
	v4 =	vand.u32 $0xFFFFFFF0, v41  }
0x1ed: {  	v3 =	vor.u32 v3, v4  }
0x1ee: {  	v4 =	vperm.xlane v3, v0;
	_ =	sdelay $0x1  }
0x1ef: {  	v3 =	vperm.xlane v3, v2;
	v4 =	vadd.s32 v1, v4;
	_ =	sdelay $0x1  }
0x1f0: {  	v3 =	vadd.s32 v1, v3;
	_ =	sdelay $0x2  }
0x1f1: {  	[tilespmem:s0], [sflag:$0x2] =	stream.indirect_vreg.gather [hbm4b:s4+s2], $0x80, v4, vm0, $0xb8;
	[tilespmem:$0x10400] =	vst v63  }
0x1f2: {  	_ = 	snop  }
0x1f3: {  	[tilespmem:s3], [sflag:$0x2] =	stream.indirect_vreg.gather [hbm4b:s4+s2], $0x80, v3, vm0, $0xb8;
	[tilespmem:$0x10400] =	vst v63  }
0x1f4: {  	v3 =	vld [tilespmem:$0x2A0];
	_ =	sdelay $0x4  }
0x1f5: {  	v42 =	vshll.u32 v3, $0x1  }
0x1f6: {  	v3 =	vand.u32 $0x7, v3;
	v4 =	vand.u32 $0xFFFFFFF0, v42  }
0x1f7: {  	v3 =	vor.u32 v3, v4  }
0x1f8: {  	v4 =	vperm.xlane v3, v0;
	_ =	sdelay $0x1  }
0x1f9: {  	v3 =	vperm.xlane v3, v2;
	v4 =	vadd.s32 v1, v4;
	_ =	sdelay $0x1  }
0x1fa: {  	v3 =	vadd.s32 v1, v3;
	_ =	sdelay $0x2  }
0x1fb: {  	[tilespmem:s1], [sflag:$0x2] =	stream.indirect_vreg.gather [hbm4b:s4+s2], $0x80, v4, vm0, $0xb8;
	[tilespmem:$0x10400] =	vst v63  }
0x1fc: {  	_ = 	snop  }
0x1fd: {  	[tilespmem:s7], [sflag:$0x2] =	stream.indirect_vreg.gather [hbm4b:s4+s2], $0x80, v3, vm0, $0xb8;
	[tilespmem:$0x10400] =	vst v63  }
0x1fe: {  	v3 =	vld [tilespmem:$0x2B0];
	_ =	sdelay $0x4  }
0x1ff: {  	v43 =	vshll.u32 v3, $0x1  }
0x200: {  	v3 =	vand.u32 $0x7, v3;
	v4 =	vand.u32 $0xFFFFFFF0, v43  }
0x201: {  	v3 =	vor.u32 v3, v4  }
0x202: {  	v4 =	vperm.xlane v3, v0;
	_ =	sdelay $0x1  }
0x203: {  	v3 =	vperm.xlane v3, v2;
	v4 =	vadd.s32 v1, v4;
	_ =	sdelay $0x1  }
0x204: {  	v3 =	vadd.s32 v1, v3;
	_ =	sdelay $0x1  }
0x205: {  	s28 =	simm.s32 $0xB400  }
0x206: {  	[tilespmem:s28], [sflag:$0x2] =	stream.indirect_vreg.gather [hbm4b:s4+s2], $0x80, v4, vm0, $0xb8;
	[tilespmem:$0x10400] =	vst v63  }
0x207: {  	s29 =	simm.s32 $0xBC00  }
0x208: {  	[tilespmem:s29], [sflag:$0x2] =	stream.indirect_vreg.gather [hbm4b:s4+s2], $0x80, v3, vm0, $0xb8;
	[tilespmem:$0x10400] =	vst v63  }
0x209: {  	v3 =	vld [tilespmem:$0x2C0];
	_ =	sdelay $0x4  }
0x20a: {  	v44 =	vshll.u32 v3, $0x1  }
0x20b: {  	v3 =	vand.u32 $0x7, v3;
	v4 =	vand.u32 $0xFFFFFFF0, v44  }
0x20c: {  	v3 =	vor.u32 v3, v4  }
0x20d: {  	v4 =	vperm.xlane v3, v0;
	_ =	sdelay $0x1  }
0x20e: {  	v3 =	vperm.xlane v3, v2;
	v4 =	vadd.s32 v1, v4;
	_ =	sdelay $0x1  }
0x20f: {  	v3 =	vadd.s32 v1, v3;
	_ =	sdelay $0x1  }
0x210: {  	s21 =	simm.s32 $0xC400  }
0x211: {  	[tilespmem:s21], [sflag:$0x2] =	stream.indirect_vreg.gather [hbm4b:s4+s2], $0x80, v4, vm0, $0xb8;
	[tilespmem:$0x10400] =	vst v63  }
0x212: {  	s19 =	simm.s32 $0xCC00  }
0x213: {  	[tilespmem:s19], [sflag:$0x2] =	stream.indirect_vreg.gather [hbm4b:s4+s2], $0x80, v3, vm0, $0xb8;
	[tilespmem:$0x10400] =	vst v63  }
0x214: {  	v3 =	vld [tilespmem:$0x2D0];
	_ =	sdelay $0x4  }
0x215: {  	v45 =	vshll.u32 v3, $0x1  }
0x216: {  	v3 =	vand.u32 $0x7, v3;
	v4 =	vand.u32 $0xFFFFFFF0, v45  }
0x217: {  	v3 =	vor.u32 v3, v4  }
0x218: {  	v4 =	vperm.xlane v3, v0;
	_ =	sdelay $0x1  }
0x219: {  	v3 =	vperm.xlane v3, v2;
	v4 =	vadd.s32 v1, v4;
	_ =	sdelay $0x1  }
0x21a: {  	v3 =	vadd.s32 v1, v3;
	_ =	sdelay $0x1  }
0x21b: {  	s19 =	simm.s32 $0xD400  }
0x21c: {  	[tilespmem:s19], [sflag:$0x2] =	stream.indirect_vreg.gather [hbm4b:s4+s2], $0x80, v4, vm0, $0xb8;
	[tilespmem:$0x10400] =	vst v63  }
0x21d: {  	s31 =	simm.s32 $0xDC00  }
0x21e: {  	[tilespmem:s31], [sflag:$0x2] =	stream.indirect_vreg.gather [hbm4b:s4+s2], $0x80, v3, vm0, $0xb8;
	[tilespmem:$0x10400] =	vst v63  }
0x21f: {  	v3 =	vld [tilespmem:$0x2E0];
	_ =	sdelay $0x4  }
0x220: {  	v46 =	vshll.u32 v3, $0x1  }
0x221: {  	v3 =	vand.u32 $0x7, v3;
	v4 =	vand.u32 $0xFFFFFFF0, v46  }
0x222: {  	v3 =	vor.u32 v3, v4  }
0x223: {  	v4 =	vperm.xlane v3, v0;
	_ =	sdelay $0x1  }
0x224: {  	v3 =	vperm.xlane v3, v2;
	v4 =	vadd.s32 v1, v4;
	_ =	sdelay $0x1  }
0x225: {  	v3 =	vadd.s32 v1, v3;
	_ =	sdelay $0x1  }
0x226: {  	s22 =	simm.s32 $0xE400  }
0x227: {  	[tilespmem:s22], [sflag:$0x2] =	stream.indirect_vreg.gather [hbm4b:s4+s2], $0x80, v4, vm0, $0xb8;
	[tilespmem:$0x10400] =	vst v63  }
0x228: {  	s22 =	simm.s32 $0xEC00  }
0x229: {  	[tilespmem:s22], [sflag:$0x2] =	stream.indirect_vreg.gather [hbm4b:s4+s2], $0x80, v3, vm0, $0xb8;
	[tilespmem:$0x10400] =	vst v63  }
0x22a: {  	v3 =	vld [tilespmem:$0x2F0];
	_ =	sdelay $0x4  }
0x22b: {  	v47 =	vshll.u32 v3, $0x1  }
0x22c: {  	v3 =	vand.u32 $0x7, v3;
	v4 =	vand.u32 $0xFFFFFFF0, v47  }
0x22d: {  	v3 =	vor.u32 v3, v4  }
0x22e: {  	v4 =	vperm.xlane v3, v0;
	_ =	sdelay $0x1  }
0x22f: {  	v3 =	vperm.xlane v3, v2;
	v4 =	vadd.s32 v1, v4;
	_ =	sdelay $0x1  }
0x230: {  	v3 =	vadd.s32 v1, v3;
	_ =	sdelay $0x1  }
0x231: {  	s31 =	simm.s32 $0xF400  }
0x232: {  	[tilespmem:s31], [sflag:$0x2] =	stream.indirect_vreg.gather [hbm4b:s4+s2], $0x80, v4, vm0, $0xb8;
	[tilespmem:$0x10400] =	vst v63  }
0x233: {  	s30 =	simm.s32 $0xFC00  }
0x234: {  	[tilespmem:s30], [sflag:$0x2] =	stream.indirect_vreg.gather [hbm4b:s4+s2], $0x80, v3, vm0, $0xb8;
	[tilespmem:$0x10400] =	vst v63  }
0x235: {  	_ =	swait.ge [sflag:s13], $0x8000  }
0x236: {  	[sflag:s13] =	ssyncset.done $0x0  }
0x237: {  	s30 =	rddreg [dreg:$0x7];
	[sflag:s13] =	ssyncadd.s32 $0xFFFF8000  }
0x238: {  	[hbm4b:s30+s2] =	stream.linear.scatter [tilespmem:s24], [sflag:$0x3], $0x8000, $0x38;
	[tilespmem:$0x10400] =	vst v63  }
0x239: {  	_ =	swait.ge [sflag:s6], $0x8000  }
0x23a: {  	[sflag:s6] =	ssyncset.done $0x0  }
0x23b: {  	[sflag:s6] =	ssyncadd.s32 $0xFFFF8000  }
0x23c: {  	v3 =	vld [tilespmem:$0x300];
	_ =	sdelay $0x4  }
0x23d: {  	v48 =	vshll.u32 v3, $0x1  }
0x23e: {  	v3 =	vand.u32 $0x7, v3;
	v4 =	vand.u32 $0xFFFFFFF0, v48  }
0x23f: {  	v3 =	vor.u32 v3, v4  }
0x240: {  	v4 =	vperm.xlane v3, v0;
	_ =	sdelay $0x1  }
0x241: {  	v3 =	vperm.xlane v3, v2;
	v4 =	vadd.s32 v1, v4;
	_ =	sdelay $0x1  }
0x242: {  	v3 =	vadd.s32 v1, v3;
	_ =	sdelay $0x2  }
0x243: {  	[tilespmem:s24], [sflag:$0x1] =	stream.indirect_vreg.gather [hbm4b:s4+s2], $0x80, v4, vm0, $0xb8;
	[tilespmem:$0x10400] =	vst v63  }
0x244: {  	s30 =	simm.s32 $0xC00  }
0x245: {  	[tilespmem:s30], [sflag:$0x1] =	stream.indirect_vreg.gather [hbm4b:s4+s2], $0x80, v3, vm0, $0xb8;
	[tilespmem:$0x10400] =	vst v63  }
0x246: {  	v3 =	vld [tilespmem:$0x310];
	_ =	sdelay $0x4  }
0x247: {  	v49 =	vshll.u32 v3, $0x1  }
0x248: {  	v3 =	vand.u32 $0x7, v3;
	v4 =	vand.u32 $0xFFFFFFF0, v49  }
0x249: {  	v3 =	vor.u32 v3, v4  }
0x24a: {  	v4 =	vperm.xlane v3, v0;
	_ =	sdelay $0x1  }
0x24b: {  	v3 =	vperm.xlane v3, v2;
	v4 =	vadd.s32 v1, v4;
	_ =	sdelay $0x1  }
0x24c: {  	v3 =	vadd.s32 v1, v3;
	_ =	sdelay $0x1  }
0x24d: {  	s30 =	simm.s32 $0x1400  }
0x24e: {  	[tilespmem:s30], [sflag:$0x1] =	stream.indirect_vreg.gather [hbm4b:s4+s2], $0x80, v4, vm0, $0xb8;
	[tilespmem:$0x10400] =	vst v63  }
0x24f: {  	s20 =	simm.s32 $0x1C00  }
0x250: {  	[tilespmem:s20], [sflag:$0x1] =	stream.indirect_vreg.gather [hbm4b:s4+s2], $0x80, v3, vm0, $0xb8;
	[tilespmem:$0x10400] =	vst v63  }
0x251: {  	v3 =	vld [tilespmem:$0x320];
	_ =	sdelay $0x4  }
0x252: {  	v50 =	vshll.u32 v3, $0x1  }
0x253: {  	v3 =	vand.u32 $0x7, v3;
	v4 =	vand.u32 $0xFFFFFFF0, v50  }
0x254: {  	v3 =	vor.u32 v3, v4  }
0x255: {  	v4 =	vperm.xlane v3, v0;
	_ =	sdelay $0x1  }
0x256: {  	v3 =	vperm.xlane v3, v2;
	v4 =	vadd.s32 v1, v4;
	_ =	sdelay $0x1  }
0x257: {  	v3 =	vadd.s32 v1, v3;
	_ =	sdelay $0x1  }
0x258: {  	s20 =	simm.s32 $0x2400  }
0x259: {  	[tilespmem:s20], [sflag:$0x1] =	stream.indirect_vreg.gather [hbm4b:s4+s2], $0x80, v4, vm0, $0xb8;
	[tilespmem:$0x10400] =	vst v63  }
0x25a: {  	s30 =	simm.s32 $0x2C00  }
0x25b: {  	[tilespmem:s30], [sflag:$0x1] =	stream.indirect_vreg.gather [hbm4b:s4+s2], $0x80, v3, vm0, $0xb8;
	[tilespmem:$0x10400] =	vst v63  }
0x25c: {  	v3 =	vld [tilespmem:$0x330];
	_ =	sdelay $0x4  }
0x25d: {  	v51 =	vshll.u32 v3, $0x1  }
0x25e: {  	v3 =	vand.u32 $0x7, v3;
	v4 =	vand.u32 $0xFFFFFFF0, v51  }
0x25f: {  	v3 =	vor.u32 v3, v4  }
0x260: {  	v4 =	vperm.xlane v3, v0;
	_ =	sdelay $0x1  }
0x261: {  	v3 =	vperm.xlane v3, v2;
	v4 =	vadd.s32 v1, v4;
	_ =	sdelay $0x1  }
0x262: {  	v3 =	vadd.s32 v1, v3;
	_ =	sdelay $0x1  }
0x263: {  	s8 =	simm.s32 $0x3400  }
0x264: {  	[tilespmem:s8], [sflag:$0x1] =	stream.indirect_vreg.gather [hbm4b:s4+s2], $0x80, v4, vm0, $0xb8;
	[tilespmem:$0x10400] =	vst v63  }
0x265: {  	s11 =	simm.s32 $0x3C00  }
0x266: {  	[tilespmem:s11], [sflag:$0x1] =	stream.indirect_vreg.gather [hbm4b:s4+s2], $0x80, v3, vm0, $0xb8;
	[tilespmem:$0x10400] =	vst v63  }
0x267: {  	v3 =	vld [tilespmem:$0x340];
	_ =	sdelay $0x4  }
0x268: {  	v52 =	vshll.u32 v3, $0x1  }
0x269: {  	v3 =	vand.u32 $0x7, v3;
	v4 =	vand.u32 $0xFFFFFFF0, v52  }
0x26a: {  	v3 =	vor.u32 v3, v4  }
0x26b: {  	v4 =	vperm.xlane v3, v0;
	_ =	sdelay $0x1  }
0x26c: {  	v3 =	vperm.xlane v3, v2;
	v4 =	vadd.s32 v1, v4;
	_ =	sdelay $0x1  }
0x26d: {  	v3 =	vadd.s32 v1, v3;
	_ =	sdelay $0x1  }
0x26e: {  	s9 =	simm.s32 $0x4400  }
0x26f: {  	[tilespmem:s9], [sflag:$0x1] =	stream.indirect_vreg.gather [hbm4b:s4+s2], $0x80, v4, vm0, $0xb8;
	[tilespmem:$0x10400] =	vst v63  }
0x270: {  	s12 =	simm.s32 $0x4C00  }
0x271: {  	[tilespmem:s12], [sflag:$0x1] =	stream.indirect_vreg.gather [hbm4b:s4+s2], $0x80, v3, vm0, $0xb8;
	[tilespmem:$0x10400] =	vst v63  }
0x272: {  	v3 =	vld [tilespmem:$0x350];
	_ =	sdelay $0x4  }
0x273: {  	v53 =	vshll.u32 v3, $0x1  }
0x274: {  	v3 =	vand.u32 $0x7, v3;
	v4 =	vand.u32 $0xFFFFFFF0, v53  }
0x275: {  	v3 =	vor.u32 v3, v4  }
0x276: {  	v4 =	vperm.xlane v3, v0;
	_ =	sdelay $0x1  }
0x277: {  	v3 =	vperm.xlane v3, v2;
	v4 =	vadd.s32 v1, v4;
	_ =	sdelay $0x1  }
0x278: {  	v3 =	vadd.s32 v1, v3;
	_ =	sdelay $0x1  }
0x279: {  	s12 =	simm.s32 $0x5400  }
0x27a: {  	[tilespmem:s12], [sflag:$0x1] =	stream.indirect_vreg.gather [hbm4b:s4+s2], $0x80, v4, vm0, $0xb8;
	[tilespmem:$0x10400] =	vst v63  }
0x27b: {  	s15 =	simm.s32 $0x5C00  }
0x27c: {  	[tilespmem:s15], [sflag:$0x1] =	stream.indirect_vreg.gather [hbm4b:s4+s2], $0x80, v3, vm0, $0xb8;
	[tilespmem:$0x10400] =	vst v63  }
0x27d: {  	v3 =	vld [tilespmem:$0x360];
	_ =	sdelay $0x4  }
0x27e: {  	v54 =	vshll.u32 v3, $0x1  }
0x27f: {  	v3 =	vand.u32 $0x7, v3;
	v4 =	vand.u32 $0xFFFFFFF0, v54  }
0x280: {  	v3 =	vor.u32 v3, v4  }
0x281: {  	v4 =	vperm.xlane v3, v0;
	_ =	sdelay $0x1  }
0x282: {  	v3 =	vperm.xlane v3, v2;
	v4 =	vadd.s32 v1, v4;
	_ =	sdelay $0x1  }
0x283: {  	v3 =	vadd.s32 v1, v3;
	_ =	sdelay $0x1  }
0x284: {  	s16 =	simm.s32 $0x6400  }
0x285: {  	[tilespmem:s16], [sflag:$0x1] =	stream.indirect_vreg.gather [hbm4b:s4+s2], $0x80, v4, vm0, $0xb8;
	[tilespmem:$0x10400] =	vst v63  }
0x286: {  	s17 =	simm.s32 $0x6C00  }
0x287: {  	[tilespmem:s17], [sflag:$0x1] =	stream.indirect_vreg.gather [hbm4b:s4+s2], $0x80, v3, vm0, $0xb8;
	[tilespmem:$0x10400] =	vst v63  }
0x288: {  	v3 =	vld [tilespmem:$0x370];
	_ =	sdelay $0x4  }
0x289: {  	v55 =	vshll.u32 v3, $0x1  }
0x28a: {  	v3 =	vand.u32 $0x7, v3;
	v4 =	vand.u32 $0xFFFFFFF0, v55  }
0x28b: {  	v3 =	vor.u32 v3, v4  }
0x28c: {  	v4 =	vperm.xlane v3, v0;
	_ =	sdelay $0x1  }
0x28d: {  	v3 =	vperm.xlane v3, v2;
	v4 =	vadd.s32 v1, v4;
	_ =	sdelay $0x1  }
0x28e: {  	v3 =	vadd.s32 v1, v3;
	_ =	sdelay $0x1  }
0x28f: {  	s18 =	simm.s32 $0x7400  }
0x290: {  	[tilespmem:s18], [sflag:$0x1] =	stream.indirect_vreg.gather [hbm4b:s4+s2], $0x80, v4, vm0, $0xb8;
	[tilespmem:$0x10400] =	vst v63  }
0x291: {  	s10 =	simm.s32 $0x7C00  }
0x292: {  	[tilespmem:s10], [sflag:$0x1] =	stream.indirect_vreg.gather [hbm4b:s4+s2], $0x80, v3, vm0, $0xb8;
	[tilespmem:$0x10400] =	vst v63  }
0x293: {  	_ =	swait.ge [sflag:s14], $0x8000  }
0x294: {  	[sflag:s14] =	ssyncset.done $0x0  }
0x295: {  	s18 =	rddreg [dreg:$0x8];
	[sflag:s14] =	ssyncadd.s32 $0xFFFF8000  }
0x296: {  	[hbm4b:s18+s2] =	stream.linear.scatter [tilespmem:s23], [sflag:$0x3], $0x8000, $0x38;
	[tilespmem:$0x10400] =	vst v63  }
0x297: {  	_ =	swait.ge [sflag:s6], $0x8000  }
0x298: {  	[sflag:s6] =	ssyncset.done $0x0  }
0x299: {  	[sflag:s6] =	ssyncadd.s32 $0xFFFF8000  }
0x29a: {  	v3 =	vld [tilespmem:$0x380];
	_ =	sdelay $0x4  }
0x29b: {  	v56 =	vshll.u32 v3, $0x1  }
0x29c: {  	v3 =	vand.u32 $0x7, v3;
	v4 =	vand.u32 $0xFFFFFFF0, v56  }
0x29d: {  	v3 =	vor.u32 v3, v4  }
0x29e: {  	v4 =	vperm.xlane v3, v0;
	_ =	sdelay $0x1  }
0x29f: {  	v3 =	vperm.xlane v3, v2;
	v4 =	vadd.s32 v1, v4;
	_ =	sdelay $0x1  }
0x2a0: {  	v3 =	vadd.s32 v1, v3;
	_ =	sdelay $0x2  }
0x2a1: {  	[tilespmem:s23], [sflag:$0x2] =	stream.indirect_vreg.gather [hbm4b:s4+s2], $0x80, v4, vm0, $0xb8;
	[tilespmem:$0x10400] =	vst v63  }
0x2a2: {  	s20 =	simm.s32 $0x8C00  }
0x2a3: {  	[tilespmem:s20], [sflag:$0x2] =	stream.indirect_vreg.gather [hbm4b:s4+s2], $0x80, v3, vm0, $0xb8;
	[tilespmem:$0x10400] =	vst v63  }
0x2a4: {  	v3 =	vld [tilespmem:$0x390];
	_ =	sdelay $0x4  }
0x2a5: {  	v57 =	vshll.u32 v3, $0x1  }
0x2a6: {  	v3 =	vand.u32 $0x7, v3;
	v4 =	vand.u32 $0xFFFFFFF0, v57  }
0x2a7: {  	v3 =	vor.u32 v3, v4  }
0x2a8: {  	v4 =	vperm.xlane v3, v0;
	_ =	sdelay $0x1  }
0x2a9: {  	v3 =	vperm.xlane v3, v2;
	v4 =	vadd.s32 v1, v4;
	_ =	sdelay $0x1  }
0x2aa: {  	v3 =	vadd.s32 v1, v3;
	_ =	sdelay $0x1  }
0x2ab: {  	s0 =	simm.s32 $0x9400  }
0x2ac: {  	[tilespmem:s0], [sflag:$0x2] =	stream.indirect_vreg.gather [hbm4b:s4+s2], $0x80, v4, vm0, $0xb8;
	[tilespmem:$0x10400] =	vst v63  }
0x2ad: {  	s3 =	simm.s32 $0x9C00  }
0x2ae: {  	[tilespmem:s3], [sflag:$0x2] =	stream.indirect_vreg.gather [hbm4b:s4+s2], $0x80, v3, vm0, $0xb8;
	[tilespmem:$0x10400] =	vst v63  }
0x2af: {  	v3 =	vld [tilespmem:$0x3A0];
	_ =	sdelay $0x4  }
0x2b0: {  	v58 =	vshll.u32 v3, $0x1  }
0x2b1: {  	v3 =	vand.u32 $0x7, v3;
	v4 =	vand.u32 $0xFFFFFFF0, v58  }
0x2b2: {  	v3 =	vor.u32 v3, v4  }
0x2b3: {  	v4 =	vperm.xlane v3, v0;
	_ =	sdelay $0x1  }
0x2b4: {  	v3 =	vperm.xlane v3, v2;
	v4 =	vadd.s32 v1, v4;
	_ =	sdelay $0x1  }
0x2b5: {  	v3 =	vadd.s32 v1, v3;
	_ =	sdelay $0x1  }
0x2b6: {  	s1 =	simm.s32 $0xA400  }
0x2b7: {  	[tilespmem:s1], [sflag:$0x2] =	stream.indirect_vreg.gather [hbm4b:s4+s2], $0x80, v4, vm0, $0xb8;
	[tilespmem:$0x10400] =	vst v63  }
0x2b8: {  	s7 =	simm.s32 $0xAC00  }
0x2b9: {  	[tilespmem:s7], [sflag:$0x2] =	stream.indirect_vreg.gather [hbm4b:s4+s2], $0x80, v3, vm0, $0xb8;
	[tilespmem:$0x10400] =	vst v63  }
0x2ba: {  	v3 =	vld [tilespmem:$0x3B0];
	_ =	sdelay $0x4  }
0x2bb: {  	v59 =	vshll.u32 v3, $0x1  }
0x2bc: {  	v3 =	vand.u32 $0x7, v3;
	v4 =	vand.u32 $0xFFFFFFF0, v59  }
0x2bd: {  	v3 =	vor.u32 v3, v4  }
0x2be: {  	v4 =	vperm.xlane v3, v0;
	_ =	sdelay $0x1  }
0x2bf: {  	v3 =	vperm.xlane v3, v2;
	v4 =	vadd.s32 v1, v4;
	_ =	sdelay $0x1  }
0x2c0: {  	v3 =	vadd.s32 v1, v3;
	_ =	sdelay $0x1  }
0x2c1: {  	s26 =	simm.s32 $0xB400  }
0x2c2: {  	[tilespmem:s26], [sflag:$0x2] =	stream.indirect_vreg.gather [hbm4b:s4+s2], $0x80, v4, vm0, $0xb8;
	[tilespmem:$0x10400] =	vst v63  }
0x2c3: {  	s26 =	simm.s32 $0xBC00  }
0x2c4: {  	[tilespmem:s26], [sflag:$0x2] =	stream.indirect_vreg.gather [hbm4b:s4+s2], $0x80, v3, vm0, $0xb8;
	[tilespmem:$0x10400] =	vst v63  }
0x2c5: {  	v3 =	vld [tilespmem:$0x3C0];
	_ =	sdelay $0x4  }
0x2c6: {  	v60 =	vshll.u32 v3, $0x1  }
0x2c7: {  	v3 =	vand.u32 $0x7, v3;
	v4 =	vand.u32 $0xFFFFFFF0, v60  }
0x2c8: {  	v3 =	vor.u32 v3, v4  }
0x2c9: {  	v4 =	vperm.xlane v3, v0;
	_ =	sdelay $0x1  }
0x2ca: {  	v3 =	vperm.xlane v3, v2;
	v4 =	vadd.s32 v1, v4;
	_ =	sdelay $0x1  }
0x2cb: {  	v3 =	vadd.s32 v1, v3;
	_ =	sdelay $0x1  }
0x2cc: {  	s28 =	simm.s32 $0xC400  }
0x2cd: {  	[tilespmem:s28], [sflag:$0x2] =	stream.indirect_vreg.gather [hbm4b:s4+s2], $0x80, v4, vm0, $0xb8;
	[tilespmem:$0x10400] =	vst v63  }
0x2ce: {  	s21 =	simm.s32 $0xCC00  }
0x2cf: {  	[tilespmem:s21], [sflag:$0x2] =	stream.indirect_vreg.gather [hbm4b:s4+s2], $0x80, v3, vm0, $0xb8;
	[tilespmem:$0x10400] =	vst v63  }
0x2d0: {  	v3 =	vld [tilespmem:$0x3D0];
	_ =	sdelay $0x4  }
0x2d1: {  	v61 =	vshll.u32 v3, $0x1  }
0x2d2: {  	v3 =	vand.u32 $0x7, v3;
	v4 =	vand.u32 $0xFFFFFFF0, v61  }
0x2d3: {  	v3 =	vor.u32 v3, v4  }
0x2d4: {  	v4 =	vperm.xlane v3, v0;
	_ =	sdelay $0x1  }
0x2d5: {  	v3 =	vperm.xlane v3, v2;
	v4 =	vadd.s32 v1, v4;
	_ =	sdelay $0x1  }
0x2d6: {  	v3 =	vadd.s32 v1, v3;
	_ =	sdelay $0x1  }
0x2d7: {  	s29 =	simm.s32 $0xD400  }
0x2d8: {  	[tilespmem:s29], [sflag:$0x2] =	stream.indirect_vreg.gather [hbm4b:s4+s2], $0x80, v4, vm0, $0xb8;
	[tilespmem:$0x10400] =	vst v63  }
0x2d9: {  	s25 =	simm.s32 $0xDC00  }
0x2da: {  	[tilespmem:s25], [sflag:$0x2] =	stream.indirect_vreg.gather [hbm4b:s4+s2], $0x80, v3, vm0, $0xb8;
	[tilespmem:$0x10400] =	vst v63  }
0x2db: {  	v3 =	vld [tilespmem:$0x3E0];
	_ =	sdelay $0x4  }
0x2dc: {  	v62 =	vshll.u32 v3, $0x1  }
0x2dd: {  	v3 =	vand.u32 $0x7, v3;
	v4 =	vand.u32 $0xFFFFFFF0, v62  }
0x2de: {  	v3 =	vor.u32 v3, v4  }
0x2df: {  	v4 =	vperm.xlane v3, v0;
	_ =	sdelay $0x1  }
0x2e0: {  	v3 =	vperm.xlane v3, v2;
	v4 =	vadd.s32 v1, v4;
	_ =	sdelay $0x1  }
0x2e1: {  	v3 =	vadd.s32 v1, v3;
	_ =	sdelay $0x1  }
0x2e2: {  	s19 =	simm.s32 $0xE400  }
0x2e3: {  	[tilespmem:s19], [sflag:$0x2] =	stream.indirect_vreg.gather [hbm4b:s4+s2], $0x80, v4, vm0, $0xb8;
	[tilespmem:$0x10400] =	vst v63  }
0x2e4: {  	s22 =	simm.s32 $0xEC00  }
0x2e5: {  	[tilespmem:s22], [sflag:$0x2] =	stream.indirect_vreg.gather [hbm4b:s4+s2], $0x80, v3, vm0, $0xb8;
	[tilespmem:$0x10400] =	vst v63  }
0x2e6: {  	v3 =	vld [tilespmem:$0x3F0];
	_ =	sdelay $0x4  }
0x2e7: {  	v63 =	vshll.u32 v3, $0x1  }
0x2e8: {  	v3 =	vand.u32 $0x7, v3;
	v4 =	vand.u32 $0xFFFFFFF0, v63  }
0x2e9: {  	v3 =	vor.u32 v3, v4  }
0x2ea: {  	v4 =	vperm.xlane v3, v0;
	_ =	sdelay $0x1  }
0x2eb: {  	v3 =	vperm.xlane v3, v2;
	v4 =	vadd.s32 v1, v4;
	_ =	sdelay $0x1  }
0x2ec: {  	v3 =	vadd.s32 v1, v3;
	_ =	sdelay $0x1  }
0x2ed: {  	s29 =	simm.s32 $0xF400  }
0x2ee: {  	[tilespmem:s29], [sflag:$0x2] =	stream.indirect_vreg.gather [hbm4b:s4+s2], $0x80, v4, vm0, $0xb8;
	[tilespmem:$0x10400] =	vst v63  }
0x2ef: {  	s31 =	simm.s32 $0xFC00  }
0x2f0: {  	[tilespmem:s31], [sflag:$0x2] =	stream.indirect_vreg.gather [hbm4b:s4+s2], $0x80, v3, vm0, $0xb8;
	[tilespmem:$0x10400] =	vst v63  }
0x2f1: {  	_ =	swait.ge [sflag:s13], $0x8000  }
0x2f2: {  	[sflag:s13] =	ssyncset.done $0x0  }
0x2f3: {  	s30 =	rddreg [dreg:$0x9];
	[sflag:s13] =	ssyncadd.s32 $0xFFFF8000  }
0x2f4: {  	[hbm4b:s30+s2] =	stream.linear.scatter [tilespmem:s24], [sflag:$0x3], $0x8000, $0x38;
	[tilespmem:$0x10400] =	vst v63  }
0x2f5: {  	_ =	swait.ge [sflag:s6], $0x8000  }
0x2f6: {  	[sflag:s6] =	ssyncset.done $0x0  }
0x2f7: {  	[sflag:s6] =	ssyncadd.s32 $0xFFFF8000  }
0x2f8: {  	_ =	swait.ge [sflag:s14], $0x8000  }
0x2f9: {  	p0 =	sne.s32 s5, $0x1;
	[sflag:s14] =	ssyncset.done $0x0  }
.Ltmp0:
0x2fa: {  	s31 =	rddreg [dreg:$0xa];
	[sflag:s14] =	ssyncadd.s32 $0xFFFF8000;
	(pc) =	sbr.rel @p0 .LBB2_1-.Ltmp0, $4  }
0x2fb: {  	[hbm4b:s31+s2] =	stream.linear.scatter [tilespmem:s23], [sflag:$0x3], $0x8000, $0x38;
	[tilespmem:$0x10400] =	vst v63  }
0x2fc: {  	_ =	swait.ge [sflag:s6], $0x8000  }
0x2fd: {  	[sflag:s6] =	ssyncset.done $0x0  }
0x2fe: {  	s5 =	sadd.s32 $0xFFFFFFFF, s5;
	[sflag:s6] =	ssyncadd.s32 $0xFFFF8000  }
0x2ff: {  	_ =	sfence.sel $0x180000  }
0x300: {  	[bflag:$0x0] =	sbarrier.arrive $0xFFFF  }
0x301: {  	_ =	strace $0x90000047  }
0x302: {  	s0 =	stileid.u32;
	[bflag:$0x2] =	sbarrier.arrive $0xFFFF  }
0x303: {  	p0 =	sne.s32 s0, $0x0;
	s0 =	rddreg [dreg:$0x2]  }
0x304: {  	s0 =	sadd.s32 @!p0 $0x100000, s0  }
0x305: {  	[sflag:s0] =	ssyncadd.tile.s32 @!p0 $0x1;
	_ =	shalt  }
.Lfunc_end2:
_tile_overlayer_lowered:
.L_overlay_start_2:
0x306: {  	(tag) =	ssettag $0x2  }
0x307: {  	s0 =	rddreg [dreg:$0x0];
	s2 =	stileid.u32  }
0x308: {  	s1 =	rddreg [dreg:$0x1];
	p0 =	sne.s32 s2, $0x0  }
0x309: {  	s3 =	rddreg [dreg:$0x2];
	[bflag:$0x3] =	sbarrier.arrive $0xFFFF;
	s2 =	simm.s32 @!p0 $0x1C03  }
0x30a: {  	[timem:s3], [sflag:s2] =	dma.local @!p0 [hbm:s0], s1  }
0x30b: {  	s0 =	simm.s32 @!p0 $0x3  }
0x30c: {  	_ =	swait.ge @!p0 [sflag:s0], s1  }
0x30d: {  	s1 =	ssub.s32 @!p0 $0x0, s1;
	[sflag:s0] =	ssyncset.done @!p0 $0x0  }
0x30e: {  	[sflag:s0] =	ssyncadd.s32 @!p0 s1  }
0x30f: {  	[bflag:$0x3] =	sbarrier.arrive $0xFFFF  }
0x310: {  	_ =	shalt  }

</sc_bundles>
